<compile_context>
chip_gen: v7x
topology: tpu7x:2x2x1
jax: 0.10.2.dev20260603
libtpu: 0.0.44.dev20260713+nightly
codegen_flags: <defaults>
</compile_context>

<pallas_src>
import functools

import jax
import jax.numpy as jnp
from jax import lax
from jax.experimental import pallas as pl
from jax.experimental.pallas import tpu as pltpu
from jax.experimental.pallas import tpu_sc as plsc

A = 4096
B = 4096
NC = 2
NS = 16
NW = NC * NS
LANES = 16


def _body(n, a_hbm, b_hbm, v_hbm, tab_hbm, out_hbm,
          a_v, b_v, f_v, val_v, g_v,
          ta_v, tb_v, tf_v, tval_v, tg_v, acc_v, sem,
          gsem1, gsem2, gsem3, gsem4):
    chunk = (n // (NW * 8)) * 8
    rem = n - NW * chunk
    vsteps = -(-chunk // LANES)
    main_valid = chunk - (vsteps - 1) * LANES
    tsteps = -(-rem // LANES)
    tail_valid = rem - (tsteps - 1) * LANES

    cid = lax.axis_index("c")
    sid = lax.axis_index("s")
    wid = sid * NC + cid
    base = wid * chunk

    nph = 4
    p0 = vsteps // 8
    per = ((vsteps - p0) // (nph - 1))
    bounds = [0, p0 * LANES] + [
        (p0 + p * per) * LANES for p in range(1, nph - 1)
    ] + [vsteps * LANES]
    d0 = bounds[1]

    cp_a0 = pltpu.async_copy(a_hbm.at[pl.ds(base, d0)],
                             a_v.at[pl.ds(0, d0)], sem)
    cp_b0 = pltpu.async_copy(b_hbm.at[pl.ds(base, d0)],
                             b_v.at[pl.ds(0, d0)], sem)
    cp_a = pltpu.async_copy(a_hbm.at[pl.ds(base + d0, chunk - d0)],
                            a_v.at[pl.ds(d0, chunk - d0)], sem)
    cp_b = pltpu.async_copy(b_hbm.at[pl.ds(base + d0, chunk - d0)],
                            b_v.at[pl.ds(d0, chunk - d0)], sem)
    cp_v = pltpu.async_copy(v_hbm.at[pl.ds(base, chunk)],
                            val_v.at[pl.ds(0, chunk)], sem)
    cp_a0.wait()
    cp_b0.wait()

    lanes = lax.iota(jnp.int32, LANES)
    gsems = [gsem1, gsem2, gsem3, gsem4]

    def run_idx(lo, hi, mask_tail):
        @plsc.parallel_loop(lo, hi, step=LANES, unroll=8)
        def _(i):
            s = pl.ds(i, LANES)
            a = a_v[s]
            b = b_v[s]
            f_v[s] = (((a >> 3) << 15) + ((b >> 7) << 10)
                      + ((a & 7) << 7) + (b & 127))
        if mask_tail:
            s_last = pl.ds(hi - LANES, LANES)
            keep = lanes < main_valid
            f_v[s_last] = jnp.where(keep, f_v[s_last], 0)
            val_v[s_last] = jnp.where(keep, val_v[s_last], 0.0)

    def fire_gather(p):
        lo, hi = bounds[p], bounds[p + 1]
        return pltpu.async_copy(tab_hbm.at[f_v.at[pl.ds(lo, hi - lo)]],
                                g_v.at[pl.ds(lo, hi - lo)], gsems[p])

    def run_mac(lo, hi, acc):
        @plsc.parallel_loop(lo, hi, step=LANES, unroll=8, carry=acc)
        def macs(i, a):
            s = pl.ds(i, LANES)
            return a + g_v[s] * val_v[s]
        return macs

    run_idx(bounds[0], bounds[1], False)
    gcps = [fire_gather(0)]
    cp_a.wait()
    cp_b.wait()
    run_idx(bounds[1], bounds[2], False)
    gcps.append(fire_gather(1))
    run_idx(bounds[2], bounds[3], False)
    cp_v.wait()
    run_idx(bounds[3], bounds[4], True)
    gcps.append(fire_gather(2))
    gcps.append(fire_gather(3))

    acc = jnp.zeros((LANES,), jnp.float32)
    for p in range(nph):
        gcps[p].wait()
        acc = run_mac(bounds[p], bounds[p + 1], acc)
    acc_v[...] = acc

    if rem:
        @pl.when(wid == NW - 1)
        def _tail():
            tbase = NW * chunk
            tp_a = pltpu.async_copy(a_hbm.at[pl.ds(tbase, rem)],
                                    ta_v.at[pl.ds(0, rem)], sem)
            tp_b = pltpu.async_copy(b_hbm.at[pl.ds(tbase, rem)],
                                    tb_v.at[pl.ds(0, rem)], sem)
            tp_v = pltpu.async_copy(v_hbm.at[pl.ds(tbase, rem)],
                                    tval_v.at[pl.ds(0, rem)], sem)
            tp_a.wait()
            tp_b.wait()
            tp_v.wait()

            def tidx_body(i, carry):
                s = pl.ds(i * LANES, LANES)
                a = ta_v[s]
                b = tb_v[s]
                tf_v[s] = (((a >> 3) << 15) + ((b >> 7) << 10)
                           + ((a & 7) << 7) + (b & 127))
                return carry

            lax.fori_loop(0, tsteps, tidx_body, 0)
            ts_last = pl.ds((tsteps - 1) * LANES, LANES)
            tkeep = lanes < tail_valid
            tf_v[ts_last] = jnp.where(tkeep, tf_v[ts_last], 0)
            tval_v[ts_last] = jnp.where(tkeep, tval_v[ts_last], 0.0)

            pltpu.async_copy(tab_hbm.at[tf_v], tg_v, sem).wait()

            def tdot_body(i, acc):
                s = pl.ds(i * LANES, LANES)
                return acc + tg_v[s] * tval_v[s]

            tacc = lax.fori_loop(0, tsteps, tdot_body,
                                 jnp.zeros((LANES,), jnp.float32))
            acc_v[...] = acc_v[...] + tacc

    pltpu.sync_copy(acc_v, out_hbm.at[pl.ds(wid * LANES, LANES)])


def kernel(a_idx, b_idx, values, coefficients):
    n = a_idx.shape[0]
    chunk = (n // (NW * 8)) * 8
    rem = n - NW * chunk
    cbuf = -(-chunk // LANES) * LANES
    tbuf = max(-(-rem // LANES) * LANES, LANES)
    tab = (coefficients.reshape(A // 8, 8, B // 128, 128)
           .transpose(0, 2, 1, 3).reshape(A * B))

    mesh = plsc.VectorSubcoreMesh(core_axis_name="c", subcore_axis_name="s")
    out = pl.kernel(
        functools.partial(_body, n),
        out_type=jax.ShapeDtypeStruct((NW * LANES,), jnp.float32),
        mesh=mesh,
        scratch_types=[
            pltpu.VMEM((cbuf,), jnp.int32),
            pltpu.VMEM((cbuf,), jnp.int32),
            pltpu.VMEM((cbuf,), jnp.int32),
            pltpu.VMEM((cbuf,), jnp.float32),
            pltpu.VMEM((cbuf,), jnp.float32),
            pltpu.VMEM((tbuf,), jnp.int32),
            pltpu.VMEM((tbuf,), jnp.int32),
            pltpu.VMEM((tbuf,), jnp.int32),
            pltpu.VMEM((tbuf,), jnp.float32),
            pltpu.VMEM((tbuf,), jnp.float32),
            pltpu.VMEM((LANES,), jnp.float32),
            pltpu.SemaphoreType.DMA,
            pltpu.SemaphoreType.DMA,
            pltpu.SemaphoreType.DMA,
            pltpu.SemaphoreType.DMA,
            pltpu.SemaphoreType.DMA,
        ],
    )(a_idx, b_idx, values, tab)
    return jnp.sum(out)

# --- scband reference (transcript-rebuilt; emitter-appended) ---
"""Pipeline reference for scband-sparse2-dlinear-36782099923515 (READ-ONLY COPY).

The authoritative reference and input builder live on the scoring server;
editing this copy changes nothing except your own understanding.
"""

import jax, jax.numpy as jnp
import numpy as np

A = 4096
B = 4096
NNZ = 167772

def setup_inputs(seed: int = 0) -> dict:
    key = jax.random.key(seed)
    k1, k2, k3, k4 = jax.random.split(key, 4)
    a_idx = jax.random.randint(k1, (NNZ,), 0, A, dtype=jnp.int64 if jax.config.read('jax_enable_x64') else jnp.int32).astype(jnp.int32)
    b_idx = jax.random.randint(k2, (NNZ,), 0, B).astype(jnp.int32)
    values = jax.random.normal(k3, (NNZ,), dtype=jnp.float32)
    # learned parameter: coefficients[num_a_features, num_b_features]
    # (torch init is zeros; use small random values for a meaningful reference)
    coefficients = jax.random.normal(k4, (A, B), dtype=jnp.float32) * 0.02
    return {"a_idx": a_idx, "b_idx": b_idx, "values": values, "coefficients": coefficients}

def reference(a_idx, b_idx, values, coefficients):
    # Faithful vectorization of:
    #   activation = sum_{(a,b),v in feat_dict} coefficients[a, b] * v
    gathered = coefficients[a_idx, b_idx]  # gather NNZ scalars from the 2D table
    activation = jnp.sum(gathered * values)
    return activation

if __name__ == "__main__":
    import jax
    _d = setup_inputs()
    print(jax.jit(kernel)(*tuple(_d.values())))

</pallas_src>

<mosaic_0001>
#map = affine_map<(d0, d1) -> (0)>
module attributes {stable_mosaic.version = 14 : i64} {
  func.func @_body(%arg0: i32, %arg1: i32, %arg2: memref<167772xi32, #tpu.memory_space<hbm>>, %arg3: memref<167772xi32, #tpu.memory_space<hbm>>, %arg4: memref<167772xf32, #tpu.memory_space<hbm>>, %arg5: memref<16777216xf32, #tpu.memory_space<hbm>>, %arg6: memref<512xf32, #tpu.memory_space<hbm>>, %arg7: memref<5248xi32, #tpu.memory_space<vmem>>, %arg8: memref<5248xi32, #tpu.memory_space<vmem>>, %arg9: memref<5248xi32, #tpu.memory_space<vmem>>, %arg10: memref<5248xf32, #tpu.memory_space<vmem>>, %arg11: memref<5248xf32, #tpu.memory_space<vmem>>, %arg12: memref<96xi32, #tpu.memory_space<vmem>>, %arg13: memref<96xi32, #tpu.memory_space<vmem>>, %arg14: memref<96xi32, #tpu.memory_space<vmem>>, %arg15: memref<96xf32, #tpu.memory_space<vmem>>, %arg16: memref<96xf32, #tpu.memory_space<vmem>>, %arg17: memref<16xf32, #tpu.memory_space<vmem>>, %arg18: memref<!tpu.dma_semaphore, #tpu.memory_space<semaphore_mem>>, %arg19: memref<!tpu.dma_semaphore, #tpu.memory_space<semaphore_mem>>, %arg20: memref<!tpu.dma_semaphore, #tpu.memory_space<semaphore_mem>>, %arg21: memref<!tpu.dma_semaphore, #tpu.memory_space<semaphore_mem>>, %arg22: memref<!tpu.dma_semaphore, #tpu.memory_space<semaphore_mem>>) attributes {dimension_semantics = [#tpu.dimension_semantics<core_parallel>, #tpu.dimension_semantics<subcore_parallel>], iteration_bounds = array<i64: 2, 16>, scalar_prefetch = 0 : i64, scratch_operands = 16 : i64, tpu.core_type = #tpu.core_type<sc_vector_subcore>, window_params = [{transform_indices = #map}, {transform_indices = #map}, {transform_indices = #map}, {transform_indices = #map}, {transform_indices = #map}]} {
    %mul3A = arith.constant 2 : i32
    %mul3A_0 = arith.muli %arg1, %mul3A : i32
    %add3A = arith.addi %mul3A_0, %arg0 : i32
    %mul3A_1 = arith.constant 5240 : i32
    %mul3A_2 = arith.muli %add3A, %mul3A_1 : i32
    %dma_start3A = arith.constant 0 : i32
    %dma_start3A_3 = tpu.memref_slice %arg7[%dma_start3A] : memref<5248xi32, #tpu.memory_space<vmem>> -> memref<656xi32, #tpu.memory_space<vmem>>
    %dma_start3A_4 = tpu.memref_slice %arg2[%mul3A_2] : memref<167772xi32, #tpu.memory_space<hbm>> -> memref<656xi32, #tpu.memory_space<hbm>>
    %dma_start3A_5 = arith.constant 0 : i32
    %dma_start3A_6 = tpu.memref_slice %arg7[%dma_start3A_5] : memref<5248xi32, #tpu.memory_space<vmem>> -> memref<656xi32, #tpu.memory_space<vmem>>
    %dma_start3A_7 = tpu.memref_slice %arg2[%mul3A_2] : memref<167772xi32, #tpu.memory_space<hbm>> -> memref<656xi32, #tpu.memory_space<hbm>>
    tpu.enqueue_dma source(%dma_start3A_7 : memref<656xi32, #tpu.memory_space<hbm>>) target(%dma_start3A_6 : memref<656xi32, #tpu.memory_space<vmem>>) target_semaphore(%arg18 : memref<!tpu.dma_semaphore, #tpu.memory_space<semaphore_mem>>)
    %dma_start3A_8 = arith.constant 0 : i32
    %dma_start3A_9 = tpu.memref_slice %arg8[%dma_start3A_8] : memref<5248xi32, #tpu.memory_space<vmem>> -> memref<656xi32, #tpu.memory_space<vmem>>
    %dma_start3A_10 = tpu.memref_slice %arg3[%mul3A_2] : memref<167772xi32, #tpu.memory_space<hbm>> -> memref<656xi32, #tpu.memory_space<hbm>>
    %dma_start3A_11 = arith.constant 0 : i32
    %dma_start3A_12 = tpu.memref_slice %arg8[%dma_start3A_11] : memref<5248xi32, #tpu.memory_space<vmem>> -> memref<656xi32, #tpu.memory_space<vmem>>
    %dma_start3A_13 = tpu.memref_slice %arg3[%mul3A_2] : memref<167772xi32, #tpu.memory_space<hbm>> -> memref<656xi32, #tpu.memory_space<hbm>>
    tpu.enqueue_dma source(%dma_start3A_13 : memref<656xi32, #tpu.memory_space<hbm>>) target(%dma_start3A_12 : memref<656xi32, #tpu.memory_space<vmem>>) target_semaphore(%arg18 : memref<!tpu.dma_semaphore, #tpu.memory_space<semaphore_mem>>)
    %add3A_14 = arith.constant 656 : i32
    %add3A_15 = arith.addi %mul3A_2, %add3A_14 : i32
    %dma_start3A_16 = arith.constant 656 : i32
    %dma_start3A_17 = tpu.memref_slice %arg7[%dma_start3A_16] : memref<5248xi32, #tpu.memory_space<vmem>> -> memref<4584xi32, #tpu.memory_space<vmem>>
    %dma_start3A_18 = tpu.memref_slice %arg2[%add3A_15] : memref<167772xi32, #tpu.memory_space<hbm>> -> memref<4584xi32, #tpu.memory_space<hbm>>
    %dma_start3A_19 = arith.constant 656 : i32
    %dma_start3A_20 = tpu.memref_slice %arg7[%dma_start3A_19] : memref<5248xi32, #tpu.memory_space<vmem>> -> memref<4584xi32, #tpu.memory_space<vmem>>
    %dma_start3A_21 = tpu.memref_slice %arg2[%add3A_15] : memref<167772xi32, #tpu.memory_space<hbm>> -> memref<4584xi32, #tpu.memory_space<hbm>>
    tpu.enqueue_dma source(%dma_start3A_21 : memref<4584xi32, #tpu.memory_space<hbm>>) target(%dma_start3A_20 : memref<4584xi32, #tpu.memory_space<vmem>>) target_semaphore(%arg18 : memref<!tpu.dma_semaphore, #tpu.memory_space<semaphore_mem>>)
    %add3A_22 = arith.constant 656 : i32
    %add3A_23 = arith.addi %mul3A_2, %add3A_22 : i32
    %dma_start3A_24 = arith.constant 656 : i32
    %dma_start3A_25 = tpu.memref_slice %arg8[%dma_start3A_24] : memref<5248xi32, #tpu.memory_space<vmem>> -> memref<4584xi32, #tpu.memory_space<vmem>>
    %dma_start3A_26 = tpu.memref_slice %arg3[%add3A_23] : memref<167772xi32, #tpu.memory_space<hbm>> -> memref<4584xi32, #tpu.memory_space<hbm>>
    %dma_start3A_27 = arith.constant 656 : i32
    %dma_start3A_28 = tpu.memref_slice %arg8[%dma_start3A_27] : memref<5248xi32, #tpu.memory_space<vmem>> -> memref<4584xi32, #tpu.memory_space<vmem>>
    %dma_start3A_29 = tpu.memref_slice %arg3[%add3A_23] : memref<167772xi32, #tpu.memory_space<hbm>> -> memref<4584xi32, #tpu.memory_space<hbm>>
    tpu.enqueue_dma source(%dma_start3A_29 : memref<4584xi32, #tpu.memory_space<hbm>>) target(%dma_start3A_28 : memref<4584xi32, #tpu.memory_space<vmem>>) target_semaphore(%arg18 : memref<!tpu.dma_semaphore, #tpu.memory_space<semaphore_mem>>)
    %dma_start3A_30 = arith.constant 0 : i32
    %dma_start3A_31 = tpu.memref_slice %arg10[%dma_start3A_30] : memref<5248xf32, #tpu.memory_space<vmem>> -> memref<5240xf32, #tpu.memory_space<vmem>>
    %dma_start3A_32 = tpu.memref_slice %arg4[%mul3A_2] : memref<167772xf32, #tpu.memory_space<hbm>> -> memref<5240xf32, #tpu.memory_space<hbm>>
    %dma_start3A_33 = arith.constant 0 : i32
    %dma_start3A_34 = tpu.memref_slice %arg10[%dma_start3A_33] : memref<5248xf32, #tpu.memory_space<vmem>> -> memref<5240xf32, #tpu.memory_space<vmem>>
    %dma_start3A_35 = tpu.memref_slice %arg4[%mul3A_2] : memref<167772xf32, #tpu.memory_space<hbm>> -> memref<5240xf32, #tpu.memory_space<hbm>>
    tpu.enqueue_dma source(%dma_start3A_35 : memref<5240xf32, #tpu.memory_space<hbm>>) target(%dma_start3A_34 : memref<5240xf32, #tpu.memory_space<vmem>>) target_semaphore(%arg18 : memref<!tpu.dma_semaphore, #tpu.memory_space<semaphore_mem>>)
    %dma_wait3A = arith.constant 0 : i32
    %dma_wait3A_36 = tpu.memref_slice %arg7[%dma_wait3A] : memref<5248xi32, #tpu.memory_space<vmem>> -> memref<656xi32, #tpu.memory_space<vmem>>
    %dma_wait3A_37 = tpu.memref_slice %arg2[%mul3A_2] : memref<167772xi32, #tpu.memory_space<hbm>> -> memref<656xi32, #tpu.memory_space<hbm>>
    %dma_wait3A_38 = arith.constant 0 : i32
    %dma_wait3A_39 = tpu.memref_slice %arg7[%dma_wait3A_38] : memref<5248xi32, #tpu.memory_space<vmem>> -> memref<656xi32, #tpu.memory_space<vmem>>
    %dma_wait3A_40 = tpu.memref_slice %arg2[%mul3A_2] : memref<167772xi32, #tpu.memory_space<hbm>> -> memref<656xi32, #tpu.memory_space<hbm>>
    tpu.wait_dma2 semaphore(%arg18 : memref<!tpu.dma_semaphore, #tpu.memory_space<semaphore_mem>>) src(%dma_wait3A_40 : memref<656xi32, #tpu.memory_space<hbm>>) dst(%dma_wait3A_39 : memref<656xi32, #tpu.memory_space<vmem>>)
    %dma_wait3A_41 = arith.constant 0 : i32
    %dma_wait3A_42 = tpu.memref_slice %arg8[%dma_wait3A_41] : memref<5248xi32, #tpu.memory_space<vmem>> -> memref<656xi32, #tpu.memory_space<vmem>>
    %dma_wait3A_43 = tpu.memref_slice %arg3[%mul3A_2] : memref<167772xi32, #tpu.memory_space<hbm>> -> memref<656xi32, #tpu.memory_space<hbm>>
    %dma_wait3A_44 = arith.constant 0 : i32
    %dma_wait3A_45 = tpu.memref_slice %arg8[%dma_wait3A_44] : memref<5248xi32, #tpu.memory_space<vmem>> -> memref<656xi32, #tpu.memory_space<vmem>>
    %dma_wait3A_46 = tpu.memref_slice %arg3[%mul3A_2] : memref<167772xi32, #tpu.memory_space<hbm>> -> memref<656xi32, #tpu.memory_space<hbm>>
    tpu.wait_dma2 semaphore(%arg18 : memref<!tpu.dma_semaphore, #tpu.memory_space<semaphore_mem>>) src(%dma_wait3A_46 : memref<656xi32, #tpu.memory_space<hbm>>) dst(%dma_wait3A_45 : memref<656xi32, #tpu.memory_space<vmem>>)
    %iota3A = tpu.iota {dimensions = array<i32: 0>} : vector<16xi32>
    %parallel_loop3A = arith.constant 0 : i32
    %parallel_loop3A_47 = arith.constant 656 : i32
    %parallel_loop3A_48 = arith.constant 16 : i32
    scf.for %parallel_loop3A_167 = %parallel_loop3A to %parallel_loop3A_47 step %parallel_loop3A_48  : i32 {
      %parallel_loop3A_168 = arith.index_cast %parallel_loop3A_167 : i32 to index
      %parallel_loop3A_169 = tpu.vector_load %arg7[%parallel_loop3A_168] {strides = array<i32>} : memref<5248xi32, #tpu.memory_space<vmem>>, vector<16xi32>,
      %parallel_loop3A_170 = vector.shape_cast %parallel_loop3A_169 : vector<16xi32> to vector<16xi32>
      %parallel_loop3A_171 = arith.index_cast %parallel_loop3A_167 : i32 to index
      %parallel_loop3A_172 = tpu.vector_load %arg8[%parallel_loop3A_171] {strides = array<i32>} : memref<5248xi32, #tpu.memory_space<vmem>>, vector<16xi32>,
      %parallel_loop3A_173 = vector.shape_cast %parallel_loop3A_172 : vector<16xi32> to vector<16xi32>
      %parallel_loop3A_174 = arith.constant 3 : i32
      %parallel_loop3A_175 = vector.broadcast %parallel_loop3A_174 : i32 to vector<16xi32>
      %parallel_loop3A_176 = arith.shrsi %parallel_loop3A_170, %parallel_loop3A_175 : vector<16xi32>
      %parallel_loop3A_177 = arith.constant 15 : i32
      %parallel_loop3A_178 = vector.broadcast %parallel_loop3A_177 : i32 to vector<16xi32>
      %parallel_loop3A_179 = arith.shli %parallel_loop3A_176, %parallel_loop3A_178 : vector<16xi32>
      %parallel_loop3A_180 = arith.constant 7 : i32
      %parallel_loop3A_181 = vector.broadcast %parallel_loop3A_180 : i32 to vector<16xi32>
      %parallel_loop3A_182 = arith.shrsi %parallel_loop3A_173, %parallel_loop3A_181 : vector<16xi32>
      %parallel_loop3A_183 = arith.constant 10 : i32
      %parallel_loop3A_184 = vector.broadcast %parallel_loop3A_183 : i32 to vector<16xi32>
      %parallel_loop3A_185 = arith.shli %parallel_loop3A_182, %parallel_loop3A_184 : vector<16xi32>
      %parallel_loop3A_186 = arith.addi %parallel_loop3A_179, %parallel_loop3A_185 : vector<16xi32>
      %parallel_loop3A_187 = arith.constant 7 : i32
      %parallel_loop3A_188 = vector.broadcast %parallel_loop3A_187 : i32 to vector<16xi32>
      %parallel_loop3A_189 = arith.andi %parallel_loop3A_170, %parallel_loop3A_188 : vector<16xi32>
      %parallel_loop3A_190 = arith.constant 7 : i32
      %parallel_loop3A_191 = vector.broadcast %parallel_loop3A_190 : i32 to vector<16xi32>
      %parallel_loop3A_192 = arith.shli %parallel_loop3A_189, %parallel_loop3A_191 : vector<16xi32>
      %parallel_loop3A_193 = arith.addi %parallel_loop3A_186, %parallel_loop3A_192 : vector<16xi32>
      %parallel_loop3A_194 = arith.constant 127 : i32
      %parallel_loop3A_195 = vector.broadcast %parallel_loop3A_194 : i32 to vector<16xi32>
      %parallel_loop3A_196 = arith.andi %parallel_loop3A_173, %parallel_loop3A_195 : vector<16xi32>
      %parallel_loop3A_197 = arith.addi %parallel_loop3A_193, %parallel_loop3A_196 : vector<16xi32>
      %parallel_loop3A_198 = arith.index_cast %parallel_loop3A_167 : i32 to index
      %parallel_loop3A_199 = tpu.vector_load %arg9[%parallel_loop3A_198] {strides = array<i32>} : memref<5248xi32, #tpu.memory_space<vmem>>, vector<16xi32>,
      %parallel_loop3A_200 = vector.shape_cast %parallel_loop3A_199 : vector<16xi32> to vector<16xi32>
      %parallel_loop3A_201 = vector.shape_cast %parallel_loop3A_197 : vector<16xi32> to vector<16xi32>
      tpu.vector_store %arg9[%parallel_loop3A_198], %parallel_loop3A_201 {strides = array<i32>} : memref<5248xi32, #tpu.memory_space<vmem>>, vector<16xi32>,
    } {sc.loop_unroll_factor = 8 : i64, sc.parallel_access}
    %dma_start3A_49 = arith.constant 0 : i32
    %dma_start3A_50 = tpu.memref_slice %arg11[%dma_start3A_49] : memref<5248xf32, #tpu.memory_space<vmem>> -> memref<656xf32, #tpu.memory_space<vmem>>
    %dma_start3A_51 = arith.constant 0 : i32
    %dma_start3A_52 = tpu.memref_slice %arg9[%dma_start3A_51] : memref<5248xi32, #tpu.memory_space<vmem>> -> memref<656xi32, #tpu.memory_space<vmem>>
    %dma_start3A_53 = arith.constant 0 : i32
    %dma_start3A_54 = tpu.memref_slice %arg5[%dma_start3A_53] : memref<16777216xf32, #tpu.memory_space<hbm>> -> memref<16777216xf32, #tpu.memory_space<hbm>>
    tpu.enqueue_indirect_dma source(%dma_start3A_54 : memref<16777216xf32, #tpu.memory_space<hbm>>) target(%dma_start3A_50 : memref<656xf32, #tpu.memory_space<vmem>>) offsets(%dma_start3A_52 : memref<656xi32, #tpu.memory_space<vmem>>) semaphore(%arg19 : memref<!tpu.dma_semaphore, #tpu.memory_space<semaphore_mem>>)
    %dma_wait3A_55 = arith.constant 656 : i32
    %dma_wait3A_56 = tpu.memref_slice %arg7[%dma_wait3A_55] : memref<5248xi32, #tpu.memory_space<vmem>> -> memref<4584xi32, #tpu.memory_space<vmem>>
    %dma_wait3A_57 = tpu.memref_slice %arg2[%add3A_15] : memref<167772xi32, #tpu.memory_space<hbm>> -> memref<4584xi32, #tpu.memory_space<hbm>>
    %dma_wait3A_58 = arith.constant 656 : i32
    %dma_wait3A_59 = tpu.memref_slice %arg7[%dma_wait3A_58] : memref<5248xi32, #tpu.memory_space<vmem>> -> memref<4584xi32, #tpu.memory_space<vmem>>
    %dma_wait3A_60 = tpu.memref_slice %arg2[%add3A_15] : memref<167772xi32, #tpu.memory_space<hbm>> -> memref<4584xi32, #tpu.memory_space<hbm>>
    tpu.wait_dma2 semaphore(%arg18 : memref<!tpu.dma_semaphore, #tpu.memory_space<semaphore_mem>>) src(%dma_wait3A_60 : memref<4584xi32, #tpu.memory_space<hbm>>) dst(%dma_wait3A_59 : memref<4584xi32, #tpu.memory_space<vmem>>)
    %dma_wait3A_61 = arith.constant 656 : i32
    %dma_wait3A_62 = tpu.memref_slice %arg8[%dma_wait3A_61] : memref<5248xi32, #tpu.memory_space<vmem>> -> memref<4584xi32, #tpu.memory_space<vmem>>
    %dma_wait3A_63 = tpu.memref_slice %arg3[%add3A_23] : memref<167772xi32, #tpu.memory_space<hbm>> -> memref<4584xi32, #tpu.memory_space<hbm>>
    %dma_wait3A_64 = arith.constant 656 : i32
    %dma_wait3A_65 = tpu.memref_slice %arg8[%dma_wait3A_64] : memref<5248xi32, #tpu.memory_space<vmem>> -> memref<4584xi32, #tpu.memory_space<vmem>>
    %dma_wait3A_66 = tpu.memref_slice %arg3[%add3A_23] : memref<167772xi32, #tpu.memory_space<hbm>> -> memref<4584xi32, #tpu.memory_space<hbm>>
    tpu.wait_dma2 semaphore(%arg18 : memref<!tpu.dma_semaphore, #tpu.memory_space<semaphore_mem>>) src(%dma_wait3A_66 : memref<4584xi32, #tpu.memory_space<hbm>>) dst(%dma_wait3A_65 : memref<4584xi32, #tpu.memory_space<vmem>>)
    %parallel_loop3A_67 = arith.constant 656 : i32
    %parallel_loop3A_68 = arith.constant 2176 : i32
    %parallel_loop3A_69 = arith.constant 16 : i32
    scf.for %parallel_loop3A_167 = %parallel_loop3A_67 to %parallel_loop3A_68 step %parallel_loop3A_69  : i32 {
      %parallel_loop3A_168 = arith.index_cast %parallel_loop3A_167 : i32 to index
      %parallel_loop3A_169 = tpu.vector_load %arg7[%parallel_loop3A_168] {strides = array<i32>} : memref<5248xi32, #tpu.memory_space<vmem>>, vector<16xi32>,
      %parallel_loop3A_170 = vector.shape_cast %parallel_loop3A_169 : vector<16xi32> to vector<16xi32>
      %parallel_loop3A_171 = arith.index_cast %parallel_loop3A_167 : i32 to index
      %parallel_loop3A_172 = tpu.vector_load %arg8[%parallel_loop3A_171] {strides = array<i32>} : memref<5248xi32, #tpu.memory_space<vmem>>, vector<16xi32>,
      %parallel_loop3A_173 = vector.shape_cast %parallel_loop3A_172 : vector<16xi32> to vector<16xi32>
      %parallel_loop3A_174 = arith.constant 3 : i32
      %parallel_loop3A_175 = vector.broadcast %parallel_loop3A_174 : i32 to vector<16xi32>
      %parallel_loop3A_176 = arith.shrsi %parallel_loop3A_170, %parallel_loop3A_175 : vector<16xi32>
      %parallel_loop3A_177 = arith.constant 15 : i32
      %parallel_loop3A_178 = vector.broadcast %parallel_loop3A_177 : i32 to vector<16xi32>
      %parallel_loop3A_179 = arith.shli %parallel_loop3A_176, %parallel_loop3A_178 : vector<16xi32>
      %parallel_loop3A_180 = arith.constant 7 : i32
      %parallel_loop3A_181 = vector.broadcast %parallel_loop3A_180 : i32 to vector<16xi32>
      %parallel_loop3A_182 = arith.shrsi %parallel_loop3A_173, %parallel_loop3A_181 : vector<16xi32>
      %parallel_loop3A_183 = arith.constant 10 : i32
      %parallel_loop3A_184 = vector.broadcast %parallel_loop3A_183 : i32 to vector<16xi32>
      %parallel_loop3A_185 = arith.shli %parallel_loop3A_182, %parallel_loop3A_184 : vector<16xi32>
      %parallel_loop3A_186 = arith.addi %parallel_loop3A_179, %parallel_loop3A_185 : vector<16xi32>
      %parallel_loop3A_187 = arith.constant 7 : i32
      %parallel_loop3A_188 = vector.broadcast %parallel_loop3A_187 : i32 to vector<16xi32>
      %parallel_loop3A_189 = arith.andi %parallel_loop3A_170, %parallel_loop3A_188 : vector<16xi32>
      %parallel_loop3A_190 = arith.constant 7 : i32
      %parallel_loop3A_191 = vector.broadcast %parallel_loop3A_190 : i32 to vector<16xi32>
      %parallel_loop3A_192 = arith.shli %parallel_loop3A_189, %parallel_loop3A_191 : vector<16xi32>
      %parallel_loop3A_193 = arith.addi %parallel_loop3A_186, %parallel_loop3A_192 : vector<16xi32>
      %parallel_loop3A_194 = arith.constant 127 : i32
      %parallel_loop3A_195 = vector.broadcast %parallel_loop3A_194 : i32 to vector<16xi32>
      %parallel_loop3A_196 = arith.andi %parallel_loop3A_173, %parallel_loop3A_195 : vector<16xi32>
      %parallel_loop3A_197 = arith.addi %parallel_loop3A_193, %parallel_loop3A_196 : vector<16xi32>
      %parallel_loop3A_198 = arith.index_cast %parallel_loop3A_167 : i32 to index
      %parallel_loop3A_199 = tpu.vector_load %arg9[%parallel_loop3A_198] {strides = array<i32>} : memref<5248xi32, #tpu.memory_space<vmem>>, vector<16xi32>,
      %parallel_loop3A_200 = vector.shape_cast %parallel_loop3A_199 : vector<16xi32> to vector<16xi32>
      %parallel_loop3A_201 = vector.shape_cast %parallel_loop3A_197 : vector<16xi32> to vector<16xi32>
      tpu.vector_store %arg9[%parallel_loop3A_198], %parallel_loop3A_201 {strides = array<i32>} : memref<5248xi32, #tpu.memory_space<vmem>>, vector<16xi32>,
    } {sc.loop_unroll_factor = 8 : i64, sc.parallel_access}
    %dma_start3A_70 = arith.constant 656 : i32
    %dma_start3A_71 = tpu.memref_slice %arg11[%dma_start3A_70] : memref<5248xf32, #tpu.memory_space<vmem>> -> memref<1520xf32, #tpu.memory_space<vmem>>
    %dma_start3A_72 = arith.constant 656 : i32
    %dma_start3A_73 = tpu.memref_slice %arg9[%dma_start3A_72] : memref<5248xi32, #tpu.memory_space<vmem>> -> memref<1520xi32, #tpu.memory_space<vmem>>
    %dma_start3A_74 = arith.constant 0 : i32
    %dma_start3A_75 = tpu.memref_slice %arg5[%dma_start3A_74] : memref<16777216xf32, #tpu.memory_space<hbm>> -> memref<16777216xf32, #tpu.memory_space<hbm>>
    tpu.enqueue_indirect_dma source(%dma_start3A_75 : memref<16777216xf32, #tpu.memory_space<hbm>>) target(%dma_start3A_71 : memref<1520xf32, #tpu.memory_space<vmem>>) offsets(%dma_start3A_73 : memref<1520xi32, #tpu.memory_space<vmem>>) semaphore(%arg20 : memref<!tpu.dma_semaphore, #tpu.memory_space<semaphore_mem>>)
    %parallel_loop3A_76 = arith.constant 2176 : i32
    %parallel_loop3A_77 = arith.constant 3696 : i32
    %parallel_loop3A_78 = arith.constant 16 : i32
    scf.for %parallel_loop3A_167 = %parallel_loop3A_76 to %parallel_loop3A_77 step %parallel_loop3A_78  : i32 {
      %parallel_loop3A_168 = arith.index_cast %parallel_loop3A_167 : i32 to index
      %parallel_loop3A_169 = tpu.vector_load %arg7[%parallel_loop3A_168] {strides = array<i32>} : memref<5248xi32, #tpu.memory_space<vmem>>, vector<16xi32>,
      %parallel_loop3A_170 = vector.shape_cast %parallel_loop3A_169 : vector<16xi32> to vector<16xi32>
      %parallel_loop3A_171 = arith.index_cast %parallel_loop3A_167 : i32 to index
      %parallel_loop3A_172 = tpu.vector_load %arg8[%parallel_loop3A_171] {strides = array<i32>} : memref<5248xi32, #tpu.memory_space<vmem>>, vector<16xi32>,
      %parallel_loop3A_173 = vector.shape_cast %parallel_loop3A_172 : vector<16xi32> to vector<16xi32>
      %parallel_loop3A_174 = arith.constant 3 : i32
      %parallel_loop3A_175 = vector.broadcast %parallel_loop3A_174 : i32 to vector<16xi32>
      %parallel_loop3A_176 = arith.shrsi %parallel_loop3A_170, %parallel_loop3A_175 : vector<16xi32>
      %parallel_loop3A_177 = arith.constant 15 : i32
      %parallel_loop3A_178 = vector.broadcast %parallel_loop3A_177 : i32 to vector<16xi32>
      %parallel_loop3A_179 = arith.shli %parallel_loop3A_176, %parallel_loop3A_178 : vector<16xi32>
      %parallel_loop3A_180 = arith.constant 7 : i32
      %parallel_loop3A_181 = vector.broadcast %parallel_loop3A_180 : i32 to vector<16xi32>
      %parallel_loop3A_182 = arith.shrsi %parallel_loop3A_173, %parallel_loop3A_181 : vector<16xi32>
      %parallel_loop3A_183 = arith.constant 10 : i32
      %parallel_loop3A_184 = vector.broadcast %parallel_loop3A_183 : i32 to vector<16xi32>
      %parallel_loop3A_185 = arith.shli %parallel_loop3A_182, %parallel_loop3A_184 : vector<16xi32>
      %parallel_loop3A_186 = arith.addi %parallel_loop3A_179, %parallel_loop3A_185 : vector<16xi32>
      %parallel_loop3A_187 = arith.constant 7 : i32
      %parallel_loop3A_188 = vector.broadcast %parallel_loop3A_187 : i32 to vector<16xi32>
      %parallel_loop3A_189 = arith.andi %parallel_loop3A_170, %parallel_loop3A_188 : vector<16xi32>
      %parallel_loop3A_190 = arith.constant 7 : i32
      %parallel_loop3A_191 = vector.broadcast %parallel_loop3A_190 : i32 to vector<16xi32>
      %parallel_loop3A_192 = arith.shli %parallel_loop3A_189, %parallel_loop3A_191 : vector<16xi32>
      %parallel_loop3A_193 = arith.addi %parallel_loop3A_186, %parallel_loop3A_192 : vector<16xi32>
      %parallel_loop3A_194 = arith.constant 127 : i32
      %parallel_loop3A_195 = vector.broadcast %parallel_loop3A_194 : i32 to vector<16xi32>
      %parallel_loop3A_196 = arith.andi %parallel_loop3A_173, %parallel_loop3A_195 : vector<16xi32>
      %parallel_loop3A_197 = arith.addi %parallel_loop3A_193, %parallel_loop3A_196 : vector<16xi32>
      %parallel_loop3A_198 = arith.index_cast %parallel_loop3A_167 : i32 to index
      %parallel_loop3A_199 = tpu.vector_load %arg9[%parallel_loop3A_198] {strides = array<i32>} : memref<5248xi32, #tpu.memory_space<vmem>>, vector<16xi32>,
      %parallel_loop3A_200 = vector.shape_cast %parallel_loop3A_199 : vector<16xi32> to vector<16xi32>
      %parallel_loop3A_201 = vector.shape_cast %parallel_loop3A_197 : vector<16xi32> to vector<16xi32>
      tpu.vector_store %arg9[%parallel_loop3A_198], %parallel_loop3A_201 {strides = array<i32>} : memref<5248xi32, #tpu.memory_space<vmem>>, vector<16xi32>,
    } {sc.loop_unroll_factor = 8 : i64, sc.parallel_access}
    %dma_wait3A_79 = arith.constant 0 : i32
    %dma_wait3A_80 = tpu.memref_slice %arg10[%dma_wait3A_79] : memref<5248xf32, #tpu.memory_space<vmem>> -> memref<5240xf32, #tpu.memory_space<vmem>>
    %dma_wait3A_81 = tpu.memref_slice %arg4[%mul3A_2] : memref<167772xf32, #tpu.memory_space<hbm>> -> memref<5240xf32, #tpu.memory_space<hbm>>
    %dma_wait3A_82 = arith.constant 0 : i32
    %dma_wait3A_83 = tpu.memref_slice %arg10[%dma_wait3A_82] : memref<5248xf32, #tpu.memory_space<vmem>> -> memref<5240xf32, #tpu.memory_space<vmem>>
    %dma_wait3A_84 = tpu.memref_slice %arg4[%mul3A_2] : memref<167772xf32, #tpu.memory_space<hbm>> -> memref<5240xf32, #tpu.memory_space<hbm>>
    tpu.wait_dma2 semaphore(%arg18 : memref<!tpu.dma_semaphore, #tpu.memory_space<semaphore_mem>>) src(%dma_wait3A_84 : memref<5240xf32, #tpu.memory_space<hbm>>) dst(%dma_wait3A_83 : memref<5240xf32, #tpu.memory_space<vmem>>)
    %parallel_loop3A_85 = arith.constant 3696 : i32
    %parallel_loop3A_86 = arith.constant 5248 : i32
    %parallel_loop3A_87 = arith.constant 16 : i32
    scf.for %parallel_loop3A_167 = %parallel_loop3A_85 to %parallel_loop3A_86 step %parallel_loop3A_87  : i32 {
      %parallel_loop3A_168 = arith.index_cast %parallel_loop3A_167 : i32 to index
      %parallel_loop3A_169 = tpu.vector_load %arg7[%parallel_loop3A_168] {strides = array<i32>} : memref<5248xi32, #tpu.memory_space<vmem>>, vector<16xi32>,
      %parallel_loop3A_170 = vector.shape_cast %parallel_loop3A_169 : vector<16xi32> to vector<16xi32>
      %parallel_loop3A_171 = arith.index_cast %parallel_loop3A_167 : i32 to index
      %parallel_loop3A_172 = tpu.vector_load %arg8[%parallel_loop3A_171] {strides = array<i32>} : memref<5248xi32, #tpu.memory_space<vmem>>, vector<16xi32>,
      %parallel_loop3A_173 = vector.shape_cast %parallel_loop3A_172 : vector<16xi32> to vector<16xi32>
      %parallel_loop3A_174 = arith.constant 3 : i32
      %parallel_loop3A_175 = vector.broadcast %parallel_loop3A_174 : i32 to vector<16xi32>
      %parallel_loop3A_176 = arith.shrsi %parallel_loop3A_170, %parallel_loop3A_175 : vector<16xi32>
      %parallel_loop3A_177 = arith.constant 15 : i32
      %parallel_loop3A_178 = vector.broadcast %parallel_loop3A_177 : i32 to vector<16xi32>
      %parallel_loop3A_179 = arith.shli %parallel_loop3A_176, %parallel_loop3A_178 : vector<16xi32>
      %parallel_loop3A_180 = arith.constant 7 : i32
      %parallel_loop3A_181 = vector.broadcast %parallel_loop3A_180 : i32 to vector<16xi32>
      %parallel_loop3A_182 = arith.shrsi %parallel_loop3A_173, %parallel_loop3A_181 : vector<16xi32>
      %parallel_loop3A_183 = arith.constant 10 : i32
      %parallel_loop3A_184 = vector.broadcast %parallel_loop3A_183 : i32 to vector<16xi32>
      %parallel_loop3A_185 = arith.shli %parallel_loop3A_182, %parallel_loop3A_184 : vector<16xi32>
      %parallel_loop3A_186 = arith.addi %parallel_loop3A_179, %parallel_loop3A_185 : vector<16xi32>
      %parallel_loop3A_187 = arith.constant 7 : i32
      %parallel_loop3A_188 = vector.broadcast %parallel_loop3A_187 : i32 to vector<16xi32>
      %parallel_loop3A_189 = arith.andi %parallel_loop3A_170, %parallel_loop3A_188 : vector<16xi32>
      %parallel_loop3A_190 = arith.constant 7 : i32
      %parallel_loop3A_191 = vector.broadcast %parallel_loop3A_190 : i32 to vector<16xi32>
      %parallel_loop3A_192 = arith.shli %parallel_loop3A_189, %parallel_loop3A_191 : vector<16xi32>
      %parallel_loop3A_193 = arith.addi %parallel_loop3A_186, %parallel_loop3A_192 : vector<16xi32>
      %parallel_loop3A_194 = arith.constant 127 : i32
      %parallel_loop3A_195 = vector.broadcast %parallel_loop3A_194 : i32 to vector<16xi32>
      %parallel_loop3A_196 = arith.andi %parallel_loop3A_173, %parallel_loop3A_195 : vector<16xi32>
      %parallel_loop3A_197 = arith.addi %parallel_loop3A_193, %parallel_loop3A_196 : vector<16xi32>
      %parallel_loop3A_198 = arith.index_cast %parallel_loop3A_167 : i32 to index
      %parallel_loop3A_199 = tpu.vector_load %arg9[%parallel_loop3A_198] {strides = array<i32>} : memref<5248xi32, #tpu.memory_space<vmem>>, vector<16xi32>,
      %parallel_loop3A_200 = vector.shape_cast %parallel_loop3A_199 : vector<16xi32> to vector<16xi32>
      %parallel_loop3A_201 = vector.shape_cast %parallel_loop3A_197 : vector<16xi32> to vector<16xi32>
      tpu.vector_store %arg9[%parallel_loop3A_198], %parallel_loop3A_201 {strides = array<i32>} : memref<5248xi32, #tpu.memory_space<vmem>>, vector<16xi32>,
    } {sc.loop_unroll_factor = 8 : i64, sc.parallel_access}
    %lt3A = arith.constant 8 : i32
    %lt3A_88 = vector.broadcast %lt3A : i32 to vector<16xi32>
    %lt3A_89 = arith.cmpi slt, %iota3A, %lt3A_88 : vector<16xi32>
    %get3A = arith.constant 5232 : index
    %get3A_90 = tpu.vector_load %arg9[%get3A] {strides = array<i32>} : memref<5248xi32, #tpu.memory_space<vmem>>, vector<16xi32>,
    %get3A_91 = vector.shape_cast %get3A_90 : vector<16xi32> to vector<16xi32>
    %jit3A = arith.constant 0 : i32
    %broadcast_in_dim3A = vector.broadcast %jit3A : i32 to vector<16xi32>
    %select_n3A = arith.select %lt3A_89, %get3A_91, %broadcast_in_dim3A : vector<16xi1>, vector<16xi32>
    %swap3A = arith.constant 5232 : index
    %swap3A_92 = tpu.vector_load %arg9[%swap3A] {strides = array<i32>} : memref<5248xi32, #tpu.memory_space<vmem>>, vector<16xi32>,
    %swap3A_93 = vector.shape_cast %swap3A_92 : vector<16xi32> to vector<16xi32>
    %swap3A_94 = vector.shape_cast %select_n3A : vector<16xi32> to vector<16xi32>
    tpu.vector_store %arg9[%swap3A], %swap3A_94 {strides = array<i32>} : memref<5248xi32, #tpu.memory_space<vmem>>, vector<16xi32>,
    %get3A_95 = arith.constant 5232 : index
    %get3A_96 = tpu.vector_load %arg10[%get3A_95] {strides = array<i32>} : memref<5248xf32, #tpu.memory_space<vmem>>, vector<16xf32>,
    %get3A_97 = vector.shape_cast %get3A_96 : vector<16xf32> to vector<16xf32>
    %jit3A_98 = arith.constant 0.000000e+00 : f32
    %broadcast_in_dim3A_99 = vector.broadcast %jit3A_98 : f32 to vector<16xf32>
    %select_n3A_100 = arith.select %lt3A_89, %get3A_97, %broadcast_in_dim3A_99 : vector<16xi1>, vector<16xf32>
    %swap3A_101 = arith.constant 5232 : index
    %swap3A_102 = tpu.vector_load %arg10[%swap3A_101] {strides = array<i32>} : memref<5248xf32, #tpu.memory_space<vmem>>, vector<16xf32>,
    %swap3A_103 = vector.shape_cast %swap3A_102 : vector<16xf32> to vector<16xf32>
    %swap3A_104 = vector.shape_cast %select_n3A_100 : vector<16xf32> to vector<16xf32>
    tpu.vector_store %arg10[%swap3A_101], %swap3A_104 {strides = array<i32>} : memref<5248xf32, #tpu.memory_space<vmem>>, vector<16xf32>,
    %dma_start3A_105 = arith.constant 2176 : i32
    %dma_start3A_106 = tpu.memref_slice %arg11[%dma_start3A_105] : memref<5248xf32, #tpu.memory_space<vmem>> -> memref<1520xf32, #tpu.memory_space<vmem>>
    %dma_start3A_107 = arith.constant 2176 : i32
    %dma_start3A_108 = tpu.memref_slice %arg9[%dma_start3A_107] : memref<5248xi32, #tpu.memory_space<vmem>> -> memref<1520xi32, #tpu.memory_space<vmem>>
    %dma_start3A_109 = arith.constant 0 : i32
    %dma_start3A_110 = tpu.memref_slice %arg5[%dma_start3A_109] : memref<16777216xf32, #tpu.memory_space<hbm>> -> memref<16777216xf32, #tpu.memory_space<hbm>>
    tpu.enqueue_indirect_dma source(%dma_start3A_110 : memref<16777216xf32, #tpu.memory_space<hbm>>) target(%dma_start3A_106 : memref<1520xf32, #tpu.memory_space<vmem>>) offsets(%dma_start3A_108 : memref<1520xi32, #tpu.memory_space<vmem>>) semaphore(%arg21 : memref<!tpu.dma_semaphore, #tpu.memory_space<semaphore_mem>>)
    %dma_start3A_111 = arith.constant 3696 : i32
    %dma_start3A_112 = tpu.memref_slice %arg11[%dma_start3A_111] : memref<5248xf32, #tpu.memory_space<vmem>> -> memref<1552xf32, #tpu.memory_space<vmem>>
    %dma_start3A_113 = arith.constant 3696 : i32
    %dma_start3A_114 = tpu.memref_slice %arg9[%dma_start3A_113] : memref<5248xi32, #tpu.memory_space<vmem>> -> memref<1552xi32, #tpu.memory_space<vmem>>
    %dma_start3A_115 = arith.constant 0 : i32
    %dma_start3A_116 = tpu.memref_slice %arg5[%dma_start3A_115] : memref<16777216xf32, #tpu.memory_space<hbm>> -> memref<16777216xf32, #tpu.memory_space<hbm>>
    tpu.enqueue_indirect_dma source(%dma_start3A_116 : memref<16777216xf32, #tpu.memory_space<hbm>>) target(%dma_start3A_112 : memref<1552xf32, #tpu.memory_space<vmem>>) offsets(%dma_start3A_114 : memref<1552xi32, #tpu.memory_space<vmem>>) semaphore(%arg22 : memref<!tpu.dma_semaphore, #tpu.memory_space<semaphore_mem>>)
    %broadcast_in_dim3A_117 = arith.constant 0.000000e+00 : f32
    %broadcast_in_dim3A_118 = vector.broadcast %broadcast_in_dim3A_117 : f32 to vector<16xf32>
    %dma_wait3A_119 = arith.constant 0 : i32
    %dma_wait3A_120 = tpu.memref_slice %arg11[%dma_wait3A_119] : memref<5248xf32, #tpu.memory_space<vmem>> -> memref<656xf32, #tpu.memory_space<vmem>>
    %dma_wait3A_121 = arith.constant 0 : i32
    %dma_wait3A_122 = tpu.memref_slice %arg9[%dma_wait3A_121] : memref<5248xi32, #tpu.memory_space<vmem>> -> memref<656xi32, #tpu.memory_space<vmem>>
    %dma_wait3A_123 = arith.constant 0 : i32
    %dma_wait3A_124 = tpu.memref_slice %arg5[%dma_wait3A_123] : memref<16777216xf32, #tpu.memory_space<hbm>> -> memref<16777216xf32, #tpu.memory_space<hbm>>
    tpu.wait_indirect_dma semaphore(%arg19 : memref<!tpu.dma_semaphore, #tpu.memory_space<semaphore_mem>>) src(%dma_wait3A_124 : memref<16777216xf32, #tpu.memory_space<hbm>>) dst(%dma_wait3A_120 : memref<656xf32, #tpu.memory_space<vmem>>)
    %parallel_loop3A_125 = arith.constant 0 : i32
    %parallel_loop3A_126 = arith.constant 656 : i32
    %parallel_loop3A_127 = arith.constant 16 : i32
    %parallel_loop3A_128 = scf.for %parallel_loop3A_167 = %parallel_loop3A_125 to %parallel_loop3A_126 step %parallel_loop3A_127 iter_args(%parallel_loop3A_168 = %broadcast_in_dim3A_118) -> (vector<16xf32>)  : i32 {
      %parallel_loop3A_169 = arith.index_cast %parallel_loop3A_167 : i32 to index
      %parallel_loop3A_170 = tpu.vector_load %arg11[%parallel_loop3A_169] {strides = array<i32>} : memref<5248xf32, #tpu.memory_space<vmem>>, vector<16xf32>,
      %parallel_loop3A_171 = vector.shape_cast %parallel_loop3A_170 : vector<16xf32> to vector<16xf32>
      %parallel_loop3A_172 = arith.index_cast %parallel_loop3A_167 : i32 to index
      %parallel_loop3A_173 = tpu.vector_load %arg10[%parallel_loop3A_172] {strides = array<i32>} : memref<5248xf32, #tpu.memory_space<vmem>>, vector<16xf32>,
      %parallel_loop3A_174 = vector.shape_cast %parallel_loop3A_173 : vector<16xf32> to vector<16xf32>
      %parallel_loop3A_175 = arith.mulf %parallel_loop3A_171, %parallel_loop3A_174 : vector<16xf32>
      %parallel_loop3A_176 = arith.addf %parallel_loop3A_168, %parallel_loop3A_175 : vector<16xf32>
      scf.yield %parallel_loop3A_176 : vector<16xf32>
    } {sc.loop_unroll_factor = 8 : i64, sc.parallel_access}
    %dma_wait3A_129 = arith.constant 656 : i32
    %dma_wait3A_130 = tpu.memref_slice %arg11[%dma_wait3A_129] : memref<5248xf32, #tpu.memory_space<vmem>> -> memref<1520xf32, #tpu.memory_space<vmem>>
    %dma_wait3A_131 = arith.constant 656 : i32
    %dma_wait3A_132 = tpu.memref_slice %arg9[%dma_wait3A_131] : memref<5248xi32, #tpu.memory_space<vmem>> -> memref<1520xi32, #tpu.memory_space<vmem>>
    %dma_wait3A_133 = arith.constant 0 : i32
    %dma_wait3A_134 = tpu.memref_slice %arg5[%dma_wait3A_133] : memref<16777216xf32, #tpu.memory_space<hbm>> -> memref<16777216xf32, #tpu.memory_space<hbm>>
    tpu.wait_indirect_dma semaphore(%arg20 : memref<!tpu.dma_semaphore, #tpu.memory_space<semaphore_mem>>) src(%dma_wait3A_134 : memref<16777216xf32, #tpu.memory_space<hbm>>) dst(%dma_wait3A_130 : memref<1520xf32, #tpu.memory_space<vmem>>)
    %parallel_loop3A_135 = arith.constant 656 : i32
    %parallel_loop3A_136 = arith.constant 2176 : i32
    %parallel_loop3A_137 = arith.constant 16 : i32
    %parallel_loop3A_138 = scf.for %parallel_loop3A_167 = %parallel_loop3A_135 to %parallel_loop3A_136 step %parallel_loop3A_137 iter_args(%parallel_loop3A_168 = %parallel_loop3A_128) -> (vector<16xf32>)  : i32 {
      %parallel_loop3A_169 = arith.index_cast %parallel_loop3A_167 : i32 to index
      %parallel_loop3A_170 = tpu.vector_load %arg11[%parallel_loop3A_169] {strides = array<i32>} : memref<5248xf32, #tpu.memory_space<vmem>>, vector<16xf32>,
      %parallel_loop3A_171 = vector.shape_cast %parallel_loop3A_170 : vector<16xf32> to vector<16xf32>
      %parallel_loop3A_172 = arith.index_cast %parallel_loop3A_167 : i32 to index
      %parallel_loop3A_173 = tpu.vector_load %arg10[%parallel_loop3A_172] {strides = array<i32>} : memref<5248xf32, #tpu.memory_space<vmem>>, vector<16xf32>,
      %parallel_loop3A_174 = vector.shape_cast %parallel_loop3A_173 : vector<16xf32> to vector<16xf32>
      %parallel_loop3A_175 = arith.mulf %parallel_loop3A_171, %parallel_loop3A_174 : vector<16xf32>
      %parallel_loop3A_176 = arith.addf %parallel_loop3A_168, %parallel_loop3A_175 : vector<16xf32>
      scf.yield %parallel_loop3A_176 : vector<16xf32>
    } {sc.loop_unroll_factor = 8 : i64, sc.parallel_access}
    %dma_wait3A_139 = arith.constant 2176 : i32
    %dma_wait3A_140 = tpu.memref_slice %arg11[%dma_wait3A_139] : memref<5248xf32, #tpu.memory_space<vmem>> -> memref<1520xf32, #tpu.memory_space<vmem>>
    %dma_wait3A_141 = arith.constant 2176 : i32
    %dma_wait3A_142 = tpu.memref_slice %arg9[%dma_wait3A_141] : memref<5248xi32, #tpu.memory_space<vmem>> -> memref<1520xi32, #tpu.memory_space<vmem>>
    %dma_wait3A_143 = arith.constant 0 : i32
    %dma_wait3A_144 = tpu.memref_slice %arg5[%dma_wait3A_143] : memref<16777216xf32, #tpu.memory_space<hbm>> -> memref<16777216xf32, #tpu.memory_space<hbm>>
    tpu.wait_indirect_dma semaphore(%arg21 : memref<!tpu.dma_semaphore, #tpu.memory_space<semaphore_mem>>) src(%dma_wait3A_144 : memref<16777216xf32, #tpu.memory_space<hbm>>) dst(%dma_wait3A_140 : memref<1520xf32, #tpu.memory_space<vmem>>)
    %parallel_loop3A_145 = arith.constant 2176 : i32
    %parallel_loop3A_146 = arith.constant 3696 : i32
    %parallel_loop3A_147 = arith.constant 16 : i32
    %parallel_loop3A_148 = scf.for %parallel_loop3A_167 = %parallel_loop3A_145 to %parallel_loop3A_146 step %parallel_loop3A_147 iter_args(%parallel_loop3A_168 = %parallel_loop3A_138) -> (vector<16xf32>)  : i32 {
      %parallel_loop3A_169 = arith.index_cast %parallel_loop3A_167 : i32 to index
      %parallel_loop3A_170 = tpu.vector_load %arg11[%parallel_loop3A_169] {strides = array<i32>} : memref<5248xf32, #tpu.memory_space<vmem>>, vector<16xf32>,
      %parallel_loop3A_171 = vector.shape_cast %parallel_loop3A_170 : vector<16xf32> to vector<16xf32>
      %parallel_loop3A_172 = arith.index_cast %parallel_loop3A_167 : i32 to index
      %parallel_loop3A_173 = tpu.vector_load %arg10[%parallel_loop3A_172] {strides = array<i32>} : memref<5248xf32, #tpu.memory_space<vmem>>, vector<16xf32>,
      %parallel_loop3A_174 = vector.shape_cast %parallel_loop3A_173 : vector<16xf32> to vector<16xf32>
      %parallel_loop3A_175 = arith.mulf %parallel_loop3A_171, %parallel_loop3A_174 : vector<16xf32>
      %parallel_loop3A_176 = arith.addf %parallel_loop3A_168, %parallel_loop3A_175 : vector<16xf32>
      scf.yield %parallel_loop3A_176 : vector<16xf32>
    } {sc.loop_unroll_factor = 8 : i64, sc.parallel_access}
    %dma_wait3A_149 = arith.constant 3696 : i32
    %dma_wait3A_150 = tpu.memref_slice %arg11[%dma_wait3A_149] : memref<5248xf32, #tpu.memory_space<vmem>> -> memref<1552xf32, #tpu.memory_space<vmem>>
    %dma_wait3A_151 = arith.constant 3696 : i32
    %dma_wait3A_152 = tpu.memref_slice %arg9[%dma_wait3A_151] : memref<5248xi32, #tpu.memory_space<vmem>> -> memref<1552xi32, #tpu.memory_space<vmem>>
    %dma_wait3A_153 = arith.constant 0 : i32
    %dma_wait3A_154 = tpu.memref_slice %arg5[%dma_wait3A_153] : memref<16777216xf32, #tpu.memory_space<hbm>> -> memref<16777216xf32, #tpu.memory_space<hbm>>
    tpu.wait_indirect_dma semaphore(%arg22 : memref<!tpu.dma_semaphore, #tpu.memory_space<semaphore_mem>>) src(%dma_wait3A_154 : memref<16777216xf32, #tpu.memory_space<hbm>>) dst(%dma_wait3A_150 : memref<1552xf32, #tpu.memory_space<vmem>>)
    %parallel_loop3A_155 = arith.constant 3696 : i32
    %parallel_loop3A_156 = arith.constant 5248 : i32
    %parallel_loop3A_157 = arith.constant 16 : i32
    %parallel_loop3A_158 = scf.for %parallel_loop3A_167 = %parallel_loop3A_155 to %parallel_loop3A_156 step %parallel_loop3A_157 iter_args(%parallel_loop3A_168 = %parallel_loop3A_148) -> (vector<16xf32>)  : i32 {
      %parallel_loop3A_169 = arith.index_cast %parallel_loop3A_167 : i32 to index
      %parallel_loop3A_170 = tpu.vector_load %arg11[%parallel_loop3A_169] {strides = array<i32>} : memref<5248xf32, #tpu.memory_space<vmem>>, vector<16xf32>,
      %parallel_loop3A_171 = vector.shape_cast %parallel_loop3A_170 : vector<16xf32> to vector<16xf32>
      %parallel_loop3A_172 = arith.index_cast %parallel_loop3A_167 : i32 to index
      %parallel_loop3A_173 = tpu.vector_load %arg10[%parallel_loop3A_172] {strides = array<i32>} : memref<5248xf32, #tpu.memory_space<vmem>>, vector<16xf32>,
      %parallel_loop3A_174 = vector.shape_cast %parallel_loop3A_173 : vector<16xf32> to vector<16xf32>
      %parallel_loop3A_175 = arith.mulf %parallel_loop3A_171, %parallel_loop3A_174 : vector<16xf32>
      %parallel_loop3A_176 = arith.addf %parallel_loop3A_168, %parallel_loop3A_175 : vector<16xf32>
      scf.yield %parallel_loop3A_176 : vector<16xf32>
    } {sc.loop_unroll_factor = 8 : i64, sc.parallel_access}
    %swap3A_159 = arith.constant 0 : index
    %swap3A_160 = tpu.vector_load %arg17[%swap3A_159] {strides = array<i32>} : memref<16xf32, #tpu.memory_space<vmem>>, vector<16xf32>,
    %swap3A_161 = vector.shape_cast %swap3A_160 : vector<16xf32> to vector<16xf32>
    %swap3A_162 = vector.shape_cast %parallel_loop3A_158 : vector<16xf32> to vector<16xf32>
    tpu.vector_store %arg17[%swap3A_159], %swap3A_162 {strides = array<i32>} : memref<16xf32, #tpu.memory_space<vmem>>, vector<16xf32>,
    %eq3A = arith.constant 31 : i32
    %eq3A_163 = arith.cmpi eq, %add3A, %eq3A : i32
    %convert_element_type3A = arith.extui %eq3A_163 : i1 to i32
    %cond3A = arith.constant 0 : i32
    %cond3A_164 = arith.cmpi ne, %convert_element_type3A, %cond3A : i32
    scf.if %cond3A_164 {
      %dma_start3A_167 = arith.constant 0 : i32
      %dma_start3A_168 = tpu.memref_slice %arg12[%dma_start3A_167] : memref<96xi32, #tpu.memory_space<vmem>> -> memref<92xi32, #tpu.memory_space<vmem>>
      %dma_start3A_169 = arith.constant 167680 : i32
      %dma_start3A_170 = tpu.memref_slice %arg2[%dma_start3A_169] : memref<167772xi32, #tpu.memory_space<hbm>> -> memref<92xi32, #tpu.memory_space<hbm>>
      %dma_start3A_171 = arith.constant 0 : i32
      %dma_start3A_172 = tpu.memref_slice %arg12[%dma_start3A_171] : memref<96xi32, #tpu.memory_space<vmem>> -> memref<92xi32, #tpu.memory_space<vmem>>
      %dma_start3A_173 = arith.constant 167680 : i32
      %dma_start3A_174 = tpu.memref_slice %arg2[%dma_start3A_173] : memref<167772xi32, #tpu.memory_space<hbm>> -> memref<92xi32, #tpu.memory_space<hbm>>
      tpu.enqueue_dma source(%dma_start3A_174 : memref<92xi32, #tpu.memory_space<hbm>>) target(%dma_start3A_172 : memref<92xi32, #tpu.memory_space<vmem>>) target_semaphore(%arg18 : memref<!tpu.dma_semaphore, #tpu.memory_space<semaphore_mem>>)
      %dma_start3A_175 = arith.constant 0 : i32
      %dma_start3A_176 = tpu.memref_slice %arg13[%dma_start3A_175] : memref<96xi32, #tpu.memory_space<vmem>> -> memref<92xi32, #tpu.memory_space<vmem>>
      %dma_start3A_177 = arith.constant 167680 : i32
      %dma_start3A_178 = tpu.memref_slice %arg3[%dma_start3A_177] : memref<167772xi32, #tpu.memory_space<hbm>> -> memref<92xi32, #tpu.memory_space<hbm>>
      %dma_start3A_179 = arith.constant 0 : i32
      %dma_start3A_180 = tpu.memref_slice %arg13[%dma_start3A_179] : memref<96xi32, #tpu.memory_space<vmem>> -> memref<92xi32, #tpu.memory_space<vmem>>
      %dma_start3A_181 = arith.constant 167680 : i32
      %dma_start3A_182 = tpu.memref_slice %arg3[%dma_start3A_181] : memref<167772xi32, #tpu.memory_space<hbm>> -> memref<92xi32, #tpu.memory_space<hbm>>
      tpu.enqueue_dma source(%dma_start3A_182 : memref<92xi32, #tpu.memory_space<hbm>>) target(%dma_start3A_180 : memref<92xi32, #tpu.memory_space<vmem>>) target_semaphore(%arg18 : memref<!tpu.dma_semaphore, #tpu.memory_space<semaphore_mem>>)
      %dma_start3A_183 = arith.constant 0 : i32
      %dma_start3A_184 = tpu.memref_slice %arg15[%dma_start3A_183] : memref<96xf32, #tpu.memory_space<vmem>> -> memref<92xf32, #tpu.memory_space<vmem>>
      %dma_start3A_185 = arith.constant 167680 : i32
      %dma_start3A_186 = tpu.memref_slice %arg4[%dma_start3A_185] : memref<167772xf32, #tpu.memory_space<hbm>> -> memref<92xf32, #tpu.memory_space<hbm>>
      %dma_start3A_187 = arith.constant 0 : i32
      %dma_start3A_188 = tpu.memref_slice %arg15[%dma_start3A_187] : memref<96xf32, #tpu.memory_space<vmem>> -> memref<92xf32, #tpu.memory_space<vmem>>
      %dma_start3A_189 = arith.constant 167680 : i32
      %dma_start3A_190 = tpu.memref_slice %arg4[%dma_start3A_189] : memref<167772xf32, #tpu.memory_space<hbm>> -> memref<92xf32, #tpu.memory_space<hbm>>
      tpu.enqueue_dma source(%dma_start3A_190 : memref<92xf32, #tpu.memory_space<hbm>>) target(%dma_start3A_188 : memref<92xf32, #tpu.memory_space<vmem>>) target_semaphore(%arg18 : memref<!tpu.dma_semaphore, #tpu.memory_space<semaphore_mem>>)
      %dma_wait3A_191 = arith.constant 0 : i32
      %dma_wait3A_192 = tpu.memref_slice %arg12[%dma_wait3A_191] : memref<96xi32, #tpu.memory_space<vmem>> -> memref<92xi32, #tpu.memory_space<vmem>>
      %dma_wait3A_193 = arith.constant 167680 : i32
      %dma_wait3A_194 = tpu.memref_slice %arg2[%dma_wait3A_193] : memref<167772xi32, #tpu.memory_space<hbm>> -> memref<92xi32, #tpu.memory_space<hbm>>
      %dma_wait3A_195 = arith.constant 0 : i32
      %dma_wait3A_196 = tpu.memref_slice %arg12[%dma_wait3A_195] : memref<96xi32, #tpu.memory_space<vmem>> -> memref<92xi32, #tpu.memory_space<vmem>>
      %dma_wait3A_197 = arith.constant 167680 : i32
      %dma_wait3A_198 = tpu.memref_slice %arg2[%dma_wait3A_197] : memref<167772xi32, #tpu.memory_space<hbm>> -> memref<92xi32, #tpu.memory_space<hbm>>
      tpu.wait_dma2 semaphore(%arg18 : memref<!tpu.dma_semaphore, #tpu.memory_space<semaphore_mem>>) src(%dma_wait3A_198 : memref<92xi32, #tpu.memory_space<hbm>>) dst(%dma_wait3A_196 : memref<92xi32, #tpu.memory_space<vmem>>)
      %dma_wait3A_199 = arith.constant 0 : i32
      %dma_wait3A_200 = tpu.memref_slice %arg13[%dma_wait3A_199] : memref<96xi32, #tpu.memory_space<vmem>> -> memref<92xi32, #tpu.memory_space<vmem>>
      %dma_wait3A_201 = arith.constant 167680 : i32
      %dma_wait3A_202 = tpu.memref_slice %arg3[%dma_wait3A_201] : memref<167772xi32, #tpu.memory_space<hbm>> -> memref<92xi32, #tpu.memory_space<hbm>>
      %dma_wait3A_203 = arith.constant 0 : i32
      %dma_wait3A_204 = tpu.memref_slice %arg13[%dma_wait3A_203] : memref<96xi32, #tpu.memory_space<vmem>> -> memref<92xi32, #tpu.memory_space<vmem>>
      %dma_wait3A_205 = arith.constant 167680 : i32
      %dma_wait3A_206 = tpu.memref_slice %arg3[%dma_wait3A_205] : memref<167772xi32, #tpu.memory_space<hbm>> -> memref<92xi32, #tpu.memory_space<hbm>>
      tpu.wait_dma2 semaphore(%arg18 : memref<!tpu.dma_semaphore, #tpu.memory_space<semaphore_mem>>) src(%dma_wait3A_206 : memref<92xi32, #tpu.memory_space<hbm>>) dst(%dma_wait3A_204 : memref<92xi32, #tpu.memory_space<vmem>>)
      %dma_wait3A_207 = arith.constant 0 : i32
      %dma_wait3A_208 = tpu.memref_slice %arg15[%dma_wait3A_207] : memref<96xf32, #tpu.memory_space<vmem>> -> memref<92xf32, #tpu.memory_space<vmem>>
      %dma_wait3A_209 = arith.constant 167680 : i32
      %dma_wait3A_210 = tpu.memref_slice %arg4[%dma_wait3A_209] : memref<167772xf32, #tpu.memory_space<hbm>> -> memref<92xf32, #tpu.memory_space<hbm>>
      %dma_wait3A_211 = arith.constant 0 : i32
      %dma_wait3A_212 = tpu.memref_slice %arg15[%dma_wait3A_211] : memref<96xf32, #tpu.memory_space<vmem>> -> memref<92xf32, #tpu.memory_space<vmem>>
      %dma_wait3A_213 = arith.constant 167680 : i32
      %dma_wait3A_214 = tpu.memref_slice %arg4[%dma_wait3A_213] : memref<167772xf32, #tpu.memory_space<hbm>> -> memref<92xf32, #tpu.memory_space<hbm>>
      tpu.wait_dma2 semaphore(%arg18 : memref<!tpu.dma_semaphore, #tpu.memory_space<semaphore_mem>>) src(%dma_wait3A_214 : memref<92xf32, #tpu.memory_space<hbm>>) dst(%dma_wait3A_212 : memref<92xf32, #tpu.memory_space<vmem>>)
      %scan3A = arith.constant 0 : i32
      %scan3A_215 = arith.constant 0 : i32
      %scan3A_216 = arith.constant 6 : i32
      %scan3A_217 = arith.addi %scan3A_215, %scan3A_216 : i32
      %scan3A_218 = arith.constant 1 : i32
      scf.for %scan3A_263 = %scan3A_215 to %scan3A_217 step %scan3A_218  : i32 {
        %mul3A_264 = arith.constant 16 : i32
        %mul3A_265 = arith.muli %scan3A_263, %mul3A_264 : i32
        %get3A_266 = arith.index_cast %mul3A_265 : i32 to index
        %get3A_267 = tpu.vector_load %arg12[%get3A_266] {strides = array<i32>} : memref<96xi32, #tpu.memory_space<vmem>>, vector<16xi32>,
        %get3A_268 = vector.shape_cast %get3A_267 : vector<16xi32> to vector<16xi32>
        %get3A_269 = arith.index_cast %mul3A_265 : i32 to index
        %get3A_270 = tpu.vector_load %arg13[%get3A_269] {strides = array<i32>} : memref<96xi32, #tpu.memory_space<vmem>>, vector<16xi32>,
        %get3A_271 = vector.shape_cast %get3A_270 : vector<16xi32> to vector<16xi32>
        %shift_right_arithmetic3A = arith.constant 3 : i32
        %shift_right_arithmetic3A_272 = vector.broadcast %shift_right_arithmetic3A : i32 to vector<16xi32>
        %shift_right_arithmetic3A_273 = arith.shrsi %get3A_268, %shift_right_arithmetic3A_272 : vector<16xi32>
        %shift_left3A = arith.constant 15 : i32
        %shift_left3A_274 = vector.broadcast %shift_left3A : i32 to vector<16xi32>
        %shift_left3A_275 = arith.shli %shift_right_arithmetic3A_273, %shift_left3A_274 : vector<16xi32>
        %shift_right_arithmetic3A_276 = arith.constant 7 : i32
        %shift_right_arithmetic3A_277 = vector.broadcast %shift_right_arithmetic3A_276 : i32 to vector<16xi32>
        %shift_right_arithmetic3A_278 = arith.shrsi %get3A_271, %shift_right_arithmetic3A_277 : vector<16xi32>
        %shift_left3A_279 = arith.constant 10 : i32
        %shift_left3A_280 = vector.broadcast %shift_left3A_279 : i32 to vector<16xi32>
        %shift_left3A_281 = arith.shli %shift_right_arithmetic3A_278, %shift_left3A_280 : vector<16xi32>
        %add3A_282 = arith.addi %shift_left3A_275, %shift_left3A_281 : vector<16xi32>
        %and3A = arith.constant 7 : i32
        %and3A_283 = vector.broadcast %and3A : i32 to vector<16xi32>
        %and3A_284 = arith.andi %get3A_268, %and3A_283 : vector<16xi32>
        %shift_left3A_285 = arith.constant 7 : i32
        %shift_left3A_286 = vector.broadcast %shift_left3A_285 : i32 to vector<16xi32>
        %shift_left3A_287 = arith.shli %and3A_284, %shift_left3A_286 : vector<16xi32>
        %add3A_288 = arith.addi %add3A_282, %shift_left3A_287 : vector<16xi32>
        %and3A_289 = arith.constant 127 : i32
        %and3A_290 = vector.broadcast %and3A_289 : i32 to vector<16xi32>
        %and3A_291 = arith.andi %get3A_271, %and3A_290 : vector<16xi32>
        %add3A_292 = arith.addi %add3A_288, %and3A_291 : vector<16xi32>
        %swap3A_293 = arith.index_cast %mul3A_265 : i32 to index
        %swap3A_294 = tpu.vector_load %arg14[%swap3A_293] {strides = array<i32>} : memref<96xi32, #tpu.memory_space<vmem>>, vector<16xi32>,
        %swap3A_295 = vector.shape_cast %swap3A_294 : vector<16xi32> to vector<16xi32>
        %swap3A_296 = vector.shape_cast %add3A_292 : vector<16xi32> to vector<16xi32>
        tpu.vector_store %arg14[%swap3A_293], %swap3A_296 {strides = array<i32>} : memref<96xi32, #tpu.memory_space<vmem>>, vector<16xi32>,
      }
      %scan3A_219 = arith.constant 6 : i32
      %lt3A_220 = arith.constant 12 : i32
      %lt3A_221 = vector.broadcast %lt3A_220 : i32 to vector<16xi32>
      %lt3A_222 = arith.cmpi slt, %iota3A, %lt3A_221 : vector<16xi32>
      %get3A_223 = arith.constant 80 : index
      %get3A_224 = tpu.vector_load %arg14[%get3A_223] {strides = array<i32>} : memref<96xi32, #tpu.memory_space<vmem>>, vector<16xi32>,
      %get3A_225 = vector.shape_cast %get3A_224 : vector<16xi32> to vector<16xi32>
      %jit3A_226 = arith.constant 0 : i32
      %broadcast_in_dim3A_227 = vector.broadcast %jit3A_226 : i32 to vector<16xi32>
      %select_n3A_228 = arith.select %lt3A_222, %get3A_225, %broadcast_in_dim3A_227 : vector<16xi1>, vector<16xi32>
      %swap3A_229 = arith.constant 80 : index
      %swap3A_230 = tpu.vector_load %arg14[%swap3A_229] {strides = array<i32>} : memref<96xi32, #tpu.memory_space<vmem>>, vector<16xi32>,
      %swap3A_231 = vector.shape_cast %swap3A_230 : vector<16xi32> to vector<16xi32>
      %swap3A_232 = vector.shape_cast %select_n3A_228 : vector<16xi32> to vector<16xi32>
      tpu.vector_store %arg14[%swap3A_229], %swap3A_232 {strides = array<i32>} : memref<96xi32, #tpu.memory_space<vmem>>, vector<16xi32>,
      %get3A_233 = arith.constant 80 : index
      %get3A_234 = tpu.vector_load %arg15[%get3A_233] {strides = array<i32>} : memref<96xf32, #tpu.memory_space<vmem>>, vector<16xf32>,
      %get3A_235 = vector.shape_cast %get3A_234 : vector<16xf32> to vector<16xf32>
      %jit3A_236 = arith.constant 0.000000e+00 : f32
      %broadcast_in_dim3A_237 = vector.broadcast %jit3A_236 : f32 to vector<16xf32>
      %select_n3A_238 = arith.select %lt3A_222, %get3A_235, %broadcast_in_dim3A_237 : vector<16xi1>, vector<16xf32>
      %swap3A_239 = arith.constant 80 : index
      %swap3A_240 = tpu.vector_load %arg15[%swap3A_239] {strides = array<i32>} : memref<96xf32, #tpu.memory_space<vmem>>, vector<16xf32>,
      %swap3A_241 = vector.shape_cast %swap3A_240 : vector<16xf32> to vector<16xf32>
      %swap3A_242 = vector.shape_cast %select_n3A_238 : vector<16xf32> to vector<16xf32>
      tpu.vector_store %arg15[%swap3A_239], %swap3A_242 {strides = array<i32>} : memref<96xf32, #tpu.memory_space<vmem>>, vector<16xf32>,
      %dma_start3A_243 = arith.constant 0 : i32
      %dma_start3A_244 = tpu.memref_slice %arg5[%dma_start3A_243] : memref<16777216xf32, #tpu.memory_space<hbm>> -> memref<16777216xf32, #tpu.memory_space<hbm>>
      tpu.enqueue_indirect_dma source(%dma_start3A_244 : memref<16777216xf32, #tpu.memory_space<hbm>>) target(%arg16 : memref<96xf32, #tpu.memory_space<vmem>>) offsets(%arg14 : memref<96xi32, #tpu.memory_space<vmem>>) semaphore(%arg18 : memref<!tpu.dma_semaphore, #tpu.memory_space<semaphore_mem>>)
      %dma_wait3A_245 = arith.constant 0 : i32
      %dma_wait3A_246 = tpu.memref_slice %arg5[%dma_wait3A_245] : memref<16777216xf32, #tpu.memory_space<hbm>> -> memref<16777216xf32, #tpu.memory_space<hbm>>
      tpu.wait_indirect_dma semaphore(%arg18 : memref<!tpu.dma_semaphore, #tpu.memory_space<semaphore_mem>>) src(%dma_wait3A_246 : memref<16777216xf32, #tpu.memory_space<hbm>>) dst(%arg16 : memref<96xf32, #tpu.memory_space<vmem>>)
      %broadcast_in_dim3A_247 = arith.constant 0.000000e+00 : f32
      %broadcast_in_dim3A_248 = vector.broadcast %broadcast_in_dim3A_247 : f32 to vector<16xf32>
      %scan3A_249 = arith.constant 0 : i32
      %scan3A_250 = arith.constant 6 : i32
      %scan3A_251 = arith.addi %scan3A_249, %scan3A_250 : i32
      %scan3A_252 = arith.constant 1 : i32
      %scan3A_253 = scf.for %scan3A_263 = %scan3A_249 to %scan3A_251 step %scan3A_252 iter_args(%scan3A_264 = %broadcast_in_dim3A_248) -> (vector<16xf32>)  : i32 {
        %mul3A_265 = arith.constant 16 : i32
        %mul3A_266 = arith.muli %scan3A_263, %mul3A_265 : i32
        %get3A_267 = arith.index_cast %mul3A_266 : i32 to index
        %get3A_268 = tpu.vector_load %arg16[%get3A_267] {strides = array<i32>} : memref<96xf32, #tpu.memory_space<vmem>>, vector<16xf32>,
        %get3A_269 = vector.shape_cast %get3A_268 : vector<16xf32> to vector<16xf32>
        %get3A_270 = arith.index_cast %mul3A_266 : i32 to index
        %get3A_271 = tpu.vector_load %arg15[%get3A_270] {strides = array<i32>} : memref<96xf32, #tpu.memory_space<vmem>>, vector<16xf32>,
        %get3A_272 = vector.shape_cast %get3A_271 : vector<16xf32> to vector<16xf32>
        %mul3A_273 = arith.mulf %get3A_269, %get3A_272 : vector<16xf32>
        %add3A_274 = arith.addf %scan3A_264, %mul3A_273 : vector<16xf32>
        scf.yield %add3A_274 : vector<16xf32>
      }
      %scan3A_254 = arith.constant 6 : i32
      %get3A_255 = arith.constant 0 : index
      %get3A_256 = tpu.vector_load %arg17[%get3A_255] {strides = array<i32>} : memref<16xf32, #tpu.memory_space<vmem>>, vector<16xf32>,
      %get3A_257 = vector.shape_cast %get3A_256 : vector<16xf32> to vector<16xf32>
      %add3A_258 = arith.addf %get3A_257, %scan3A_253 : vector<16xf32>
      %swap3A_259 = arith.constant 0 : index
      %swap3A_260 = tpu.vector_load %arg17[%swap3A_259] {strides = array<i32>} : memref<16xf32, #tpu.memory_space<vmem>>, vector<16xf32>,
      %swap3A_261 = vector.shape_cast %swap3A_260 : vector<16xf32> to vector<16xf32>
      %swap3A_262 = vector.shape_cast %add3A_258 : vector<16xf32> to vector<16xf32>
      tpu.vector_store %arg17[%swap3A_259], %swap3A_262 {strides = array<i32>} : memref<16xf32, #tpu.memory_space<vmem>>, vector<16xf32>,
    } else {
    }
    %mul3A_165 = arith.constant 16 : i32
    %mul3A_166 = arith.muli %add3A, %mul3A_165 : i32
    "tpu.region"() ({
      %run_scoped3A = tpu.sem_alloc : memref<!tpu.dma_semaphore, #tpu.memory_space<semaphore_mem>>
      %dma_start3A_167 = tpu.memref_slice %arg6[%mul3A_166] : memref<512xf32, #tpu.memory_space<hbm>> -> memref<16xf32, #tpu.memory_space<hbm>>
      %dma_start3A_168 = tpu.memref_slice %arg6[%mul3A_166] : memref<512xf32, #tpu.memory_space<hbm>> -> memref<16xf32, #tpu.memory_space<hbm>>
      tpu.enqueue_dma source(%arg17 : memref<16xf32, #tpu.memory_space<vmem>>) target(%dma_start3A_168 : memref<16xf32, #tpu.memory_space<hbm>>) target_semaphore(%run_scoped3A : memref<!tpu.dma_semaphore, #tpu.memory_space<semaphore_mem>>)
      %dma_wait3A_169 = tpu.memref_slice %arg6[%mul3A_166] : memref<512xf32, #tpu.memory_space<hbm>> -> memref<16xf32, #tpu.memory_space<hbm>>
      %dma_wait3A_170 = tpu.memref_slice %arg6[%mul3A_166] : memref<512xf32, #tpu.memory_space<hbm>> -> memref<16xf32, #tpu.memory_space<hbm>>
      tpu.wait_dma2 semaphore(%run_scoped3A : memref<!tpu.dma_semaphore, #tpu.memory_space<semaphore_mem>>) src(%arg17 : memref<16xf32, #tpu.memory_space<vmem>>) dst(%dma_wait3A_170 : memref<16xf32, #tpu.memory_space<hbm>>)
      tpu.yield
    }) : () -> ()
    return
  }
}

</mosaic_0001>

<sc_bundles>
// kernel: kernel.3.cloned.1.call-start
scs
__scs_entry_jumppad:
0x0: {  	(pc) =	sbr.rel $0x88, $3  }
0x1: {  	(tag) =	ssettag $0x0;
	lr =	simm.s32 $0x1  }
0x2: {  	[smem:$0x3F9D] =	sst lr;
	_ =	strace $0xD0000000  }
0x3: {  	_ = 	snop  }
0x4: {  	_ = 	snop  }
0x5: {  	_ = 	snop  }
0x6: {  	_ = 	snop  }
0x7: {  	_ = 	snop  }
__scs_overlays_trampoline_lowered:
0x8: {  	[smem:$0x3FAC] =	sst s0  }
0x9: {  	[smem:$0x3FAD] =	sst s1  }
0xa: {  	[smem:$0x3FAE] =	sst s2  }
0xb: {  	[smem:$0x3FAF] =	sst s3  }
0xc: {  	[smem:$0x3FB0] =	sst s4  }
0xd: {  	[smem:$0x3FB1] =	sst s5  }
0xe: {  	[smem:$0x3FB2] =	sst s6  }
0xf: {  	[smem:$0x3FB3] =	sst s7  }
0x10: {  	[smem:$0x3FB4] =	sst s8  }
0x11: {  	[smem:$0x3FB5] =	sst s9;
	s0 =	simm.s32 @!p0 $0x0  }
0x12: {  	s1 =	sld [smem:$0x3F9B];
	s0 =	simm.s32 @p0 $0x1  }
0x13: {  	[smem:$0x3FB6] =	sst s0;
	s0 =	simm.s32 @!p1 $0x0  }
0x14: {  	s2 =	sld [smem:$0x3F9A];
	s0 =	simm.s32 @p1 $0x1  }
0x15: {  	[smem:$0x3FB7] =	sst s0;
	s0 =	simm.s32 @!p2 $0x0  }
0x16: {  	s3 =	sld [smem:$0x3FDB];
	s0 =	simm.s32 @p2 $0x1  }
0x17: {  	s4 =	simm.s32 $0x1BF5;
	[smem:$0x3FB9] =	sst s0  }
0x18: {  	s0 =	sld [smem:$0x3F9C];
	_ =	swait.ge [sflag:s4], $0x0  }
0x19: {  	s7 =	sld [smem:$0x3F9D]  }
0x1a: {  	s8 =	sadd.s32 $0xFFFFE003, lr  }
0x1b: {  	s9 =	sadd.s32 $0xFFFFFEF7, lr;
	s5 =	simm.s32 $0xFFFFFFFF;
	p2 =	slt.u32 s8, $0xFFFFF086  }
0x1c: {  	p1 =	slt.u32 s9, $0xF7A;
	s5 =	simm.s32 @!p2 $0x0  }
0x1d: {  	s5 =	simm.s32 @p1 $0x1;
	p0 =	seq.s32 s7, s2  }
0x1e: {  	s7 =	smul.u32 @!p0 $0xF7A, s2;
	p2 =	seq.s32 @!p0 s5, $0x0  }
0x1f: {  	s9 =	smul.u32 $0xF7A, s1;
	s8 =	simm.s32 @!p0 $0x1BF5;
	p2 =	por !p2, p0  }
0x20: {  	[sflag:s8] =	ssyncset.s32 @!p0 $0xFFFFF086;
	s6 =	sadd.s32 @!p0 s3, s7;
	s7 =	simm.s32 @!p0 $0x108  }
0x21: {  	s3 =	sadd.s32 s3, s9;
	s6 =	sadd.s32 @!p0 $0x88, s6;
	s7 =	simm.s32 @p2 $0x1082  }
0x22: {  	[simem:s7], [sflag:s8] =	dma.local @!p0 [hbm:s6], $0xF7A  }
0x23: {  	s9 =	sor.u32 $0xD0000000, s2;
	s6 =	simm.s32 $0x108;
	_ =	swait.ge @!p0 [sflag:s8], $0x0  }
0x24: {  	s3 =	sadd.s32 $0x88, s3;
	s6 =	simm.s32 @!p1 $0x1082;
	[sflag:s4] =	ssyncset.s32 $0xFFFFF086  }
0x25: {  	[simem:s6], [sflag:s4] =	dma.local [hbm:s3], $0xF7A  }
0x26: {  	[smem:$0x3F9D] =	sst s1;
	(tag) =	ssettag s2;
	_ =	strace s9  }
0x27: {  	s1 =	sld [smem:$0x3FAD]  }
0x28: {  	s2 =	sld [smem:$0x3FAE]  }
0x29: {  	s4 =	sld [smem:$0x3FB0]  }
0x2a: {  	p0 =	seq.s32 s5, $0x0;
	s5 =	sld [smem:$0x3FB1]  }
0x2b: {  	s6 =	sld [smem:$0x3FB2]  }
0x2c: {  	s7 =	sld [smem:$0x3FB3]  }
0x2d: {  	s3 =	simm.s32 $0x108;
	s8 =	sld [smem:$0x3FB4]  }
0x2e: {  	s3 =	simm.s32 @!p0 $0x1082;
	s9 =	sld [smem:$0x3FB5]  }
0x2f: {  	lr =	sadd.s32 s0, s3;
	s0 =	sld [smem:$0x3FAC]  }
0x30: {  	s3 =	sld [smem:$0x3FAF]  }
0x31: {  	[smem:$0x3FB8] =	sst s10  }
0x32: {  	s10 =	sld [smem:$0x3FB6];
	_ =	sdelay $0x3  }
0x33: {  	p0 =	seq.s32 s10, $0x1;
	s10 =	sld [smem:$0x3FB8];
	_ =	sdelay $0x3  }
0x34: {  	[smem:$0x3FB8] =	sst s10  }
0x35: {  	s10 =	sld [smem:$0x3FB7];
	_ =	sdelay $0x3  }
0x36: {  	p1 =	seq.s32 s10, $0x1;
	s10 =	sld [smem:$0x3FB8];
	_ =	sdelay $0x3  }
0x37: {  	[smem:$0x3FB8] =	sst s10  }
0x38: {  	s10 =	sld [smem:$0x3FB9]  }
0x39: {  	_ = 	snop;
	(pc) =	sbr.ind lr, $3  }
0x3a: {  	_ = 	snop  }
0x3b: {  	_ = 	snop  }
0x3c: {  	p2 =	seq.s32 s10, $0x1;
	s10 =	sld [smem:$0x3FB8]  }
0x3d: {  	_ =	shalt  }
0x3e: {  	_ =	shalt  }
0x3f: {  	_ =	shalt  }
0x40: {  	_ =	shalt  }
0x41: {  	_ =	shalt  }
0x42: {  	_ =	shalt  }
0x43: {  	_ =	shalt  }
0x44: {  	_ =	shalt  }
0x45: {  	_ =	shalt  }
0x46: {  	_ =	shalt  }
0x47: {  	_ =	shalt  }
0x48: {  	_ =	shalt  }
0x49: {  	_ =	shalt  }
0x4a: {  	_ =	shalt  }
0x4b: {  	_ =	shalt  }
0x4c: {  	_ =	shalt  }
0x4d: {  	_ =	shalt  }
0x4e: {  	_ =	shalt  }
0x4f: {  	_ =	shalt  }
0x50: {  	_ =	shalt  }
0x51: {  	_ =	shalt  }
0x52: {  	_ =	shalt  }
0x53: {  	_ =	shalt  }
0x54: {  	_ =	shalt  }
0x55: {  	_ =	shalt  }
0x56: {  	_ =	shalt  }
0x57: {  	_ =	shalt  }
0x58: {  	_ =	shalt  }
0x59: {  	_ =	shalt  }
0x5a: {  	_ =	shalt  }
0x5b: {  	_ =	shalt  }
0x5c: {  	_ =	shalt  }
0x5d: {  	_ =	shalt  }
0x5e: {  	_ =	shalt  }
0x5f: {  	_ =	shalt  }
0x60: {  	_ =	shalt  }
0x61: {  	_ =	shalt  }
0x62: {  	_ =	shalt  }
0x63: {  	_ =	shalt  }
0x64: {  	_ =	shalt  }
0x65: {  	_ =	shalt  }
0x66: {  	_ =	shalt  }
0x67: {  	_ =	shalt  }
0x68: {  	_ =	shalt  }
0x69: {  	_ =	shalt  }
0x6a: {  	_ =	shalt  }
0x6b: {  	_ =	shalt  }
0x6c: {  	_ =	shalt  }
0x6d: {  	_ =	shalt  }
0x6e: {  	_ =	shalt  }
0x6f: {  	_ =	shalt  }
0x70: {  	_ =	shalt  }
0x71: {  	_ =	shalt  }
0x72: {  	_ =	shalt  }
0x73: {  	_ =	shalt  }
0x74: {  	_ =	shalt  }
0x75: {  	_ =	shalt  }
0x76: {  	_ =	shalt  }
0x77: {  	_ =	shalt  }
0x78: {  	_ =	shalt  }
0x79: {  	_ =	shalt  }
0x7a: {  	_ =	shalt  }
0x7b: {  	_ =	shalt  }
0x7c: {  	_ =	shalt  }
0x7d: {  	_ =	shalt  }
0x7e: {  	_ =	shalt  }
0x7f: {  	_ =	shalt  }
0x80: {  	_ =	shalt  }
0x81: {  	_ =	shalt  }
0x82: {  	_ =	shalt  }
0x83: {  	_ =	shalt  }
0x84: {  	_ =	shalt  }
0x85: {  	_ =	shalt  }
0x86: {  	_ =	shalt  }
0x87: {  	_ =	shalt  }
.Lfunc_end0:
.L_simem_size_0:
called_computation_lowered:
.L_overlay_start_0:
0x88: {  	s2 =	sld [smem:$0x3FD9]  }
0x89: {  	s3 =	sld [smem:$0x3FFE];
	_ =	sdelay $0x1  }
0x8a: {  	s1 =	srdreg.scid  }
0x8b: {  	s0 =	sand.u32 $0x1, s1  }
0x8c: {  	s17 =	sshll.u32 s0, $0xA;
	s2 =	sadd.s32 s3, s2  }
0x8d: {  	s2 =	sadd.s32 s2, s17  }
0x8e: {  	[smem:$0x3FC4] =	sst s2  }
0x8f: {  	_ = 	snop  }
0x90: {  	s2 =	sld [smem:$0x3FC9]  }
0x91: {  	s18 =	sld [smem:$0x3FC8]  }
0x92: {  	s4 =	sld [smem:$0x3FC7]  }
0x93: {  	s5 =	sld [smem:$0x3FC6];
	(tm) =	ssettm $0x1  }
0x94: {  	s6 =	sld [smem:$0x3FFB];
	_ =	sdelay $0x3  }
0x95: {  	_ =	strace s6  }
0x96: {  	s6 =	sld [smem:$0x3FFC];
	_ =	sdelay $0x3  }
0x97: {  	_ =	strace s6  }
0x98: {  	s6 =	sld [smem:$0x3FFD];
	_ =	sdelay $0x3  }
0x99: {  	_ =	strace s6  }
0x9a: {  	_ =	strace $0x8FFFFFFF  }
0x9b: {  	s19 =	sld [smem:$0x3FDB];
	_ =	sdelay $0x1  }
0x9c: {  	s7 =	simm.s32 $_scs_section_size  }
0x9d: {  	s8 =	simm.s32 $_size__tile_overlayer_lowered;
	s9 =	simm.s32 $_tile_overlayer_lowered  }
0x9e: {  	s22 =	simm.s32 $0x1BFF;
	s21 =	sshll.u32 s9, $0x1;
	s6 =	sadd.s32 s7, s19  }
0x9f: {  	s10 =	simm.s32 $0x0;
	s20 =	sshll.u32 s8, $0x1;
	s8 =	sadd.s32 s21, s6  }
0xa0: {  	[timem:s10], [sflag:s22] =	dma.local [hbm:s8], s20  }
0xa1: {  	_ =	swait.ge [sflag:s22], s20  }
0xa2: {  	s7 =	ssub.s32 $0x0, s20;
	[sflag:s22] =	ssyncset.done $0x0  }
0xa3: {  	[sflag:s22] =	ssyncadd.s32 s7;
	_ =	sdelay $0x1  }
0xa4: {  	s23 =	simm.s32 $0x1B8B  }
0xa5: {  	_ =	swait.ge [sflag:s23], $0x1  }
0xa6: {  	[sflag:s23] =	ssyncset.done $0x0  }
0xa7: {  	s25 =	simm.s32 $0x1B8E;
	s24 =	sld [smem:$0x3FFE];
	[sflag:s23] =	ssyncadd.s32 $0xFFFFFFFF  }
0xa8: {  	s26 =	simm.s32 $execute0_lowered;
	[smem:$0x3FD2] =	sst s25  }
0xa9: {  	s8 =	sshll.u32 s26, $0x1;
	_ =	strace $0x80000046;
	[dreg:$0x1] =	wrdreg $0xFFFFFFFF  }
0xaa: {  	s28 =	simm.s32 $_size_execute0_lowered;
	s6 =	sadd.s32 s6, s8;
	[dreg:$0x0] =	wrdreg $0x0  }
0xab: {  	s8 =	sshll.u32 s28, $0x1;
	[dreg:$0x2] =	wrdreg s6  }
0xac: {  	[dreg:$0x3] =	wrdreg s8  }
0xad: {  	[dreg:$0x4] =	wrdreg $0xC0  }
0xae: {  	_ =	task [dreg:s10], $0x5FFFF  }
0xaf: {  	[dreg:$0x1] =	wrdreg $0xFFFFFFFF  }
0xb0: {  	[dreg:$0x0] =	wrdreg $0x60  }
0xb1: {  	[dreg:$0x2] =	wrdreg s2  }
0xb2: {  	[dreg:$0x3] =	wrdreg s18  }
0xb3: {  	[dreg:$0x4] =	wrdreg s4  }
0xb4: {  	[dreg:$0x5] =	wrdreg s5  }
0xb5: {  	[dreg:$0x6] =	wrdreg s24  }
0xb6: {  	[dreg:$0x7] =	wrdreg $0x9  }
0xb7: {  	_ =	task.clear_ibuf [dreg:s10], $0x8FFFF;
	_ =	strace $0x90000046  }
0xb8: {  	s29 =	simm.s32 $0x9;
	_ =	strace $0x80000048  }
0xb9: {  	_ =	swait.ge [sflag:s29], $0x1  }
0xba: {  	[sflag:s29] =	ssyncadd.s32 $0xFFFFFFFF  }
0xbb: {  	_ =	strace $0x90000048  }
0xbc: {  	_ =	sfence  }
0xbd: {  	s30 =	sld [smem:$0x0];
	_ =	sdelay $0x2  }
0xbe: {  	s31 =	sshll.u32 s1, $0xD;
	s1 =	sshrl.u32 s1, $0x2  }
0xbf: {  	s3 =	sand.u32 $0x4000, s31;
	s1 =	sadd.s32 s1, s30  }
0xc0: {  	s0 =	sor.u32 s3, s0;
	s1 =	sshll.u32 s1, $0x11  }
0xc1: {  	s0 =	sor.u32 s1, s0  }
0xc2: {  	s0 =	sadd.s32 $0x8F2B, s0  }
0xc3: {  	[sflag:s0] =	ssyncadd.remote.s32 $0x1  }
0xc4: {  	_ =	sfence.sel $0xFFFF  }
0xc5: {  	[dreg:$0x0] =	wrdreg $0xFFFFFFFF;
	(pc) =	sbr.abs _section_cstart, $3  }
0xc6: {  	[dreg:$0x1] =	wrdreg $0xFFFFFFFF  }
0xc7: {  	_ =	task.clear_ibuf [dreg:s10], $0x2FFFF;
	_ =	strace $0x9FFFFFFF  }
0xc8: {  	(tm) =	ssettm $0x7FFFFFFF  }
0xc9: {  	_ =	shalt  }
tec
execute0_lowered:
.L_overlay_start_1:
0x0: {  	(tag) =	ssettag $0x1  }
0x1: {  	s0 =	rddreg [dreg:$0x0]  }
0x2: {  	s1 =	rddreg [dreg:$0x1]  }
0x3: {  	s11 =	rddreg [dreg:$0x2]  }
0x4: {  	s3 =	srdreg.scid;
	s2 =	rddreg [dreg:$0x3]  }
0x5: {  	s5 =	stileid.u32;
	s12 =	rddreg [dreg:$0x4]  }
0x6: {  	s15 =	simm.s32 $0x290;
	s18 =	simm.s32 $0x1;
	s21 =	simm.s32 $0x5F0  }
0x7: {  	s29 =	simm.s32 $0x6070;
	s30 =	simm.s32 $0x2;
	s31 =	simm.s32 $0x3  }
0x8: {  	s16 =	simm.s32 $0x6;
	s17 =	simm.s32 $0x0;
	s4 =	sand.u32 $0x1, s3  }
0x9: {  	s25 =	sshll.u32 s5, $0x1;
	s3 =	simm.s32 $0x0;
	s9 =	sadd.s32 $0x51E0, s0  }
0xa: {  	s10 =	sadd.s32 $0x51E0, s1;
	s14 =	sor.u32 s4, s25;
	[smem:$0x7FF] =	sst s3  }
0xb: {  	s4 =	ssub.s32 $0x2, s4;
	s26 =	smul.u32 $0x1478, s14;
	_ =	strace $0x80000047  }
0xc: {  	s6 =	sshrl.u32 s4, $0x1;
	s28 =	sshll.u32 s14, $0x1;
	p0 =	sne.s32 s14, $0x1F  }
.Ltmp0:
0xd: {  	s14 =	simm.s32 $0x6900;
	s13 =	ssub.s32 s4, s6;
	(pc) =	sbr.rel .LBB2_1-.Ltmp0, $4  }
0xe: {  	s12 =	sadd.s32 s12, s28;
	s8 =	sshrl.u32 s26, $0x3;
	s13 =	smax.u32 s13, $0x1  }
0xf: {  	s4 =	sadd.s32 s0, s8;
	s7 =	sadd.s32 $0x52, s8;
	s5 =	sadd.s32 s1, s8  }
0x10: {  	s8 =	sadd.s32 s11, s8;
	s11 =	sadd.s32 $0x51E0, s11;
	s6 =	sadd.s32 s0, s7  }
0x11: {  	vm0 =	vmmov $0xff;
	vm1 =	vmmov $0xfff;
	s7 =	sadd.s32 s1, s7;
	s1 =	simm.s32 $0x4;
	s0 =	simm.s32 $0x5  }
.LBB2_23:
0x12: {  	s17 =	sadd.s32 $0x1, s17  }
0x13: {  	p1 =	sne.s32 s17, s13  }
.Ltmp1:
0x14: {  	_ = 	snop;
	(pc) =	sbr.rel @!p1 .LBB2_24-.Ltmp1, $4  }
0x15: {  	[hbm4b:s12+s3] =	stream.linear.scatter [tilespmem:s14], [sflag:$0x6], $0x10, $0x38;
	[tilespmem:$0x6980] =	vst v63  }
0x16: {  	_ =	swait.ge [sflag:s16], $0x10  }
0x17: {  	[sflag:s16] =	ssyncset.done $0x0  }
0x18: {  	[sflag:s16] =	ssyncadd.s32 $0xFFFFFFF0  }
.LBB2_1:
0x19: {  	[tilespmem:s3], [sflag:$0x1] =	stream.linear.gather [hbm4b:s4+s3], $0x290, $0x38;
	[tilespmem:$0x6980] =	vst v63  }
0x1a: {  	s19 =	simm.s32 $0x1480  }
0x1b: {  	[tilespmem:s19], [sflag:$0x1] =	stream.linear.gather [hbm4b:s5+s3], $0x290, $0x38;
	[tilespmem:$0x6980] =	vst v63  }
0x1c: {  	_ = 	snop  }
0x1d: {  	[tilespmem:s15], [sflag:$0x1] =	stream.linear.gather [hbm4b:s6+s3], $0x11E8, $0x38;
	[tilespmem:$0x6980] =	vst v63  }
0x1e: {  	s26 =	simm.s32 $0x1710  }
0x1f: {  	[tilespmem:s26], [sflag:$0x1] =	stream.linear.gather [hbm4b:s7+s3], $0x11E8, $0x38;
	[tilespmem:$0x6980] =	vst v63  }
0x20: {  	s28 =	simm.s32 $0x3D80  }
0x21: {  	[tilespmem:s28], [sflag:$0x1] =	stream.linear.gather [hbm4b:s8+s3], $0x1478, $0x38;
	[tilespmem:$0x6980] =	vst v63  }
0x22: {  	_ =	swait.ge [sflag:s18], $0x290  }
0x23: {  	[sflag:s18] =	ssyncset.done $0x0  }
0x24: {  	[sflag:s18] =	ssyncadd.s32 $0xFFFFFD70  }
0x25: {  	_ =	swait.ge [sflag:s18], $0x290  }
0x26: {  	[sflag:s18] =	ssyncset.done $0x0  }
0x27: {  	s20 =	simm.s32 $0x40;
	[sflag:s18] =	ssyncadd.s32 $0xFFFFFD70  }
0x28: {  	s19 =	simm.s32 $0x14C0;
	v3 =	vld [tilespmem:s20+$0x30]  }
0x29: {  	v4 =	vld [tilespmem:s19+$0x30]  }
0x2a: {  	v0 =	vld [tilespmem:s19+$0xFFFFFFC0]  }
0x2b: {  	v6 =	vld [tilespmem:s20+$0xFFFFFFD0]  }
0x2c: {  	v1 =	vld [tilespmem:s19+$0xFFFFFFD0]  }
0x2d: {  	v7 =	vld [tilespmem:s20+$0xFFFFFFE0]  }
0x2e: {  	v9 =	vld [tilespmem:s20+$0xFFFFFFF0]  }
0x2f: {  	v12 =	vld [tilespmem:s20+$0x0]  }
0x30: {  	v15 =	vld [tilespmem:s20+$0x10]  }
0x31: {  	v19 =	vld [tilespmem:s20+$0x20];
	v5 =	vshll.u32 v3, $0xC;
	v8 =	vshll.u32 v4, $0x3  }
0x32: {  	v10 =	vshll.u32 v3, $0x7;
	v11 =	vshll.u32 v0, $0x3;
	v13 =	vshll.u32 v1, $0x3  }
0x33: {  	v14 =	vshll.u32 v7, $0xC;
	v17 =	vshll.u32 v9, $0xC;
	v20 =	vshll.u32 v6, $0x7  }
0x34: {  	v21 =	vshll.u32 v12, $0xC;
	v23 =	vshll.u32 v7, $0x7;
	v24 =	vshll.u32 v9, $0x7  }
0x35: {  	v62 =	vshll.u32 v15, $0xC;
	v12 =	vshll.u32 v12, $0x7;
	v26 =	vshll.u32 v15, $0x7  }
0x36: {  	v15 =	vshll.u32 v19, $0xC;
	v19 =	vshll.u32 v19, $0x7;
	v5 =	vand.u32 $0xFFFF8000, v5  }
0x37: {  	v2 =	vld [tilespmem:s19+$0xFFFFFFE0];
	v8 =	vand.u32 $0xFFFFFC00, v8;
	v13 =	vand.u32 $0xFFFFFC00, v13;
	v14 =	vand.u32 $0xFFFF8000, v14  }
0x38: {  	v22 =	vld [tilespmem:s20+$0xFFFFFFC0];
	v17 =	vand.u32 $0xFFFF8000, v17;
	v7 =	vand.u32 $0xFFFF8000, v21;
	v21 =	vand.u32 $0xFFFF8000, v62  }
0x39: {  	v3 =	vld [tilespmem:s19+$0xFFFFFFF0];
	v15 =	vand.u32 $0xFFFF8000, v15;
	v20 =	vand.u32 $0x380, v20;
	v63 =	vand.u32 $0x380, v23  }
0x3a: {  	v5 =	vadd.s32 v5, v8;
	v8 =	vand.u32 $0x380, v10;
	v10 =	vshll.u32 v6, $0xC  }
0x3b: {  	v5 =	vor.u32 v8, v5;
	v8 =	vand.u32 $0x7F, v4;
	v10 =	vand.u32 $0xFFFF8000, v10  }
0x3c: {  	v6 =	vld [tilespmem:s19+$0x20];
	v16 =	vor.u32 v8, v5;
	v8 =	vand.u32 $0xFFFFFC00, v11;
	v11 =	vshll.u32 v2, $0x3  }
0x3d: {  	v4 =	vld [tilespmem:s19+$0x0];
	v13 =	vadd.s32 v10, v13;
	v10 =	vshll.u32 v22, $0xC;
	v22 =	vshll.u32 v22, $0x7  }
0x3e: {  	v5 =	vld [tilespmem:s19+$0x10];
	v11 =	vand.u32 $0xFFFFFC00, v11;
	v18 =	vshll.u32 v3, $0x3;
	v10 =	vand.u32 $0xFFFF8000, v10  }
0x3f: {  	v13 =	vor.u32 v20, v13;
	v18 =	vand.u32 $0xFFFFFC00, v18;
	v28 =	vadd.s32 v14, v11  }
0x40: {  	v29 =	vadd.s32 v10, v8;
	v14 =	vand.u32 $0x380, v26;
	v11 =	vand.u32 $0x380, v19  }
0x41: {  	v27 =	vshll.u32 v6, $0x3;
	v10 =	vadd.s32 v17, v18;
	v18 =	vand.u32 $0x380, v22  }
0x42: {  	s20 =	simm.s32 $0x2940;
	v17 =	vand.u32 $0x380, v24;
	v61 =	vshll.u32 v4, $0x3;
	v27 =	vand.u32 $0xFFFFFC00, v27  }
0x43: {  	[tilespmem:s20+$0x30] =	vst v16;
	v16 =	vor.u32 v18, v29;
	v9 =	vand.u32 $0xFFFFFC00, v61;
	v25 =	vshll.u32 v5, $0x3  }
0x44: {  	v25 =	vand.u32 $0xFFFFFC00, v25;
	v8 =	vadd.s32 v7, v9;
	v7 =	vadd.s32 v15, v27  }
0x45: {  	s22 =	simm.s32 $0x0;
	s23 =	simm.s32 $0xC0;
	v15 =	vand.u32 $0x380, v12;
	v12 =	vor.u32 v63, v28;
	v9 =	vadd.s32 v21, v25  }
.LBB2_2:
0x46: {  	v18 =	vld [tilespmem:s23+$0x30];
	v10 =	vor.u32 v17, v10;
	v8 =	vor.u32 v15, v8;
	v9 =	vor.u32 v14, v9;
	s19 =	sadd.s32 $0x80, s19  }
0x47: {  	s22 =	sadd.s32 $0x80, s22;
	v15 =	vand.u32 $0x7F, v0;
	v17 =	vand.u32 $0x7F, v1;
	v7 =	vor.u32 v11, v7;
	v14 =	vld [tilespmem:s19+$0x30]  }
0x48: {  	v2 =	vand.u32 $0x7F, v2;
	v3 =	vand.u32 $0x7F, v3;
	v4 =	vand.u32 $0x7F, v4;
	p1 =	slt.u32 s22, $0x200;
	v0 =	vld [tilespmem:s19+$0xFFFFFFC0]  }
0x49: {  	v5 =	vand.u32 $0x7F, v5;
	v6 =	vand.u32 $0x7F, v6;
	v15 =	vor.u32 v15, v16;
	v11 =	vld [tilespmem:s23+$0xFFFFFFD0]  }
0x4a: {  	v13 =	vor.u32 v17, v13;
	v12 =	vor.u32 v2, v12;
	v3 =	vor.u32 v3, v10;
	v1 =	vld [tilespmem:s19+$0xFFFFFFD0];
	[tilespmem:s20+$0xFFFFFFC0] =	vst v15  }
0x4b: {  	v4 =	vor.u32 v4, v8;
	v5 =	vor.u32 v5, v9;
	v6 =	vor.u32 v6, v7;
	v10 =	vld [tilespmem:s23+$0xFFFFFFE0];
	[tilespmem:s20+$0xFFFFFFD0] =	vst v13  }
0x4c: {  	v7 =	vshll.u32 v18, $0xC;
	v2 =	vld [tilespmem:s19+$0xFFFFFFE0];
	v8 =	vshll.u32 v14, $0x3;
	[tilespmem:s20+$0xFFFFFFE0] =	vst v12  }
0x4d: {  	v7 =	vand.u32 $0xFFFF8000, v7;
	v12 =	vshll.u32 v18, $0x7;
	v9 =	vld [tilespmem:s23+$0xFFFFFFF0];
	v8 =	vand.u32 $0xFFFFFC00, v8;
	[tilespmem:s20+$0xFFFFFFF0] =	vst v3  }
0x4e: {  	v13 =	vshll.u32 v0, $0x3;
	v3 =	vld [tilespmem:s19+$0xFFFFFFF0];
	v7 =	vadd.s32 v7, v8;
	v8 =	vand.u32 $0x380, v12;
	[tilespmem:s20+$0x0] =	vst v4  }
0x4f: {  	v12 =	vshll.u32 v11, $0xC;
	v15 =	vld [tilespmem:s23+$0x0];
	v7 =	vor.u32 v8, v7;
	v8 =	vand.u32 $0x7F, v14;
	[tilespmem:s20+$0x10] =	vst v5  }
0x50: {  	v5 =	vshll.u32 v1, $0x3;
	v14 =	vshll.u32 v10, $0xC;
	v4 =	vld [tilespmem:s19+$0x0];
	v7 =	vor.u32 v8, v7;
	[tilespmem:s20+$0x20] =	vst v6;
	s20 =	sadd.s32 $0x80, s20  }
0x51: {  	v12 =	vand.u32 $0xFFFF8000, v12;
	v8 =	vand.u32 $0xFFFFFC00, v13;
	v6 =	vshll.u32 v2, $0x3;
	v13 =	vld [tilespmem:s23+$0x10];
	[tilespmem:s20+$0x30] =	vst v7  }
0x52: {  	v7 =	vand.u32 $0xFFFFFC00, v5;
	v14 =	vand.u32 $0xFFFF8000, v14;
	v16 =	vshll.u32 v9, $0xC;
	v5 =	vld [tilespmem:s19+$0x10]  }
0x53: {  	v17 =	vand.u32 $0xFFFFFC00, v6;
	v16 =	vand.u32 $0xFFFF8000, v16;
	v6 =	vshll.u32 v3, $0x3;
	v18 =	vld [tilespmem:s23+$0x20]  }
0x54: {  	v11 =	vshll.u32 v11, $0x7;
	v19 =	vand.u32 $0xFFFFFC00, v6;
	v20 =	vshll.u32 v15, $0xC;
	v6 =	vld [tilespmem:s19+$0x20]  }
0x55: {  	v22 =	vshll.u32 v10, $0x7;
	v21 =	vld [tilespmem:s23+$0xFFFFFFC0];
	v20 =	vand.u32 $0xFFFF8000, v20;
	v10 =	vshll.u32 v4, $0x3  }
0x56: {  	v23 =	vshll.u32 v9, $0x7;
	v9 =	vand.u32 $0xFFFFFC00, v10;
	v10 =	vshll.u32 v13, $0xC  }
0x57: {  	v15 =	vshll.u32 v15, $0x7;
	v24 =	vand.u32 $0xFFFF8000, v10;
	v10 =	vshll.u32 v5, $0x3  }
0x58: {  	v13 =	vshll.u32 v13, $0x7;
	v25 =	vand.u32 $0xFFFFFC00, v10;
	v10 =	vshll.u32 v18, $0xC  }
0x59: {  	v18 =	vshll.u32 v18, $0x7;
	v26 =	vand.u32 $0xFFFF8000, v10;
	v10 =	vshll.u32 v6, $0x3  }
0x5a: {  	v27 =	vshll.u32 v21, $0xC;
	v21 =	vshll.u32 v21, $0x7;
	v28 =	vand.u32 $0xFFFFFC00, v10  }
0x5b: {  	v12 =	vadd.s32 v12, v7;
	v10 =	vand.u32 $0xFFFF8000, v27;
	v27 =	vadd.s32 v14, v17  }
.Ltmp2:
0x5c: {  	v29 =	vadd.s32 v10, v8;
	v10 =	vadd.s32 v16, v19;
	v8 =	vadd.s32 v20, v9;
	(pc) =	sbr.rel @p1 .LBB2_2-.Ltmp2, $4  }
0x5d: {  	v7 =	vadd.s32 v26, v28;
	v16 =	vand.u32 $0x380, v21;
	v9 =	vadd.s32 v24, v25  }
0x5e: {  	v17 =	vand.u32 $0x380, v23;
	v19 =	vand.u32 $0x380, v11;
	v20 =	vand.u32 $0x380, v22  }
0x5f: {  	v15 =	vand.u32 $0x380, v15;
	v14 =	vand.u32 $0x380, v13;
	v11 =	vand.u32 $0x380, v18  }
0x60: {  	s23 =	sadd.s32 $0x80, s23;
	v16 =	vor.u32 v16, v29;
	v13 =	vor.u32 v19, v12;
	v12 =	vor.u32 v20, v27  }
0x61: {  	v0 =	vand.u32 $0x7F, v0  }
0x62: {  	v2 =	vand.u32 $0x7F, v2;
	v0 =	vor.u32 v0, v16  }
0x63: {  	v1 =	vand.u32 $0x7F, v1;
	v2 =	vor.u32 v2, v12;
	[tilespmem:s20+$0xFFFFFFC0] =	vst v0  }
0x64: {  	v3 =	vand.u32 $0x7F, v3;
	v0 =	vor.u32 v1, v13;
	v1 =	vor.u32 v17, v10;
	[tilespmem:s20+$0xFFFFFFE0] =	vst v2  }
0x65: {  	v4 =	vand.u32 $0x7F, v4;
	[tilespmem:s20+$0xFFFFFFD0] =	vst v0;
	v0 =	vor.u32 v15, v8;
	v1 =	vor.u32 v3, v1  }
0x66: {  	v2 =	vor.u32 v14, v9;
	v3 =	vand.u32 $0x7F, v5;
	v0 =	vor.u32 v4, v0;
	[tilespmem:s20+$0xFFFFFFF0] =	vst v1  }
0x67: {  	v1 =	vor.u32 v11, v7;
	v4 =	vand.u32 $0x7F, v6;
	v2 =	vor.u32 v3, v2;
	[tilespmem:s20+$0x0] =	vst v0  }
0x68: {  	v0 =	vor.u32 v4, v1;
	[tilespmem:s20+$0x10] =	vst v2  }
0x69: {  	[tilespmem:s20+$0x20] =	vst v0  }
0x6a: {  	v0 =	vld [tilespmem:$0x280]  }
0x6b: {  	v1 =	vld [tilespmem:$0x1700];
	_ =	sdelay $0x4  }
0x6c: {  	v2 =	vshll.u32 v0, $0xC;
	v3 =	vshll.u32 v1, $0x3  }
0x6d: {  	v0 =	vshll.u32 v0, $0x7;
	v2 =	vand.u32 $0xFFFF8000, v2;
	v3 =	vand.u32 $0xFFFFFC00, v3  }
0x6e: {  	v0 =	vand.u32 $0x380, v0;
	v2 =	vadd.s32 v2, v3  }
0x6f: {  	v1 =	vand.u32 $0x7F, v1;
	v0 =	vor.u32 v0, v2  }
0x70: {  	v0 =	vor.u32 v1, v0  }
0x71: {  	s19 =	simm.s32 $0x2900;
	s25 =	simm.s32 $0x5200;
	[tilespmem:$0x2B80] =	vst v0  }
0x72: {  	[tilespmem:s25], [sflag:$0x2] =	stream.indirect.gather [hbm4b:s2+s15], $0x1, s19, s15, $0xb8;
	[tilespmem:$0x6980] =	vst v63  }
0x73: {  	_ =	swait.ge [sflag:s18], $0x11E8  }
0x74: {  	[sflag:s18] =	ssyncset.done $0x0  }
0x75: {  	[sflag:s18] =	ssyncadd.s32 $0xFFFFEE18  }
0x76: {  	_ =	swait.ge [sflag:s18], $0x11E8  }
0x77: {  	[sflag:s18] =	ssyncset.done $0x0  }
0x78: {  	s26 =	simm.s32 $0x300;
	[sflag:s18] =	ssyncadd.s32 $0xFFFFEE18  }
0x79: {  	s19 =	simm.s32 $0x1780;
	v3 =	vld [tilespmem:s26+$0x0]  }
0x7a: {  	v4 =	vld [tilespmem:s19+$0x0]  }
0x7b: {  	v0 =	vld [tilespmem:s19+$0xFFFFFF90]  }
0x7c: {  	v6 =	vld [tilespmem:s26+$0xFFFFFFA0]  }
0x7d: {  	v1 =	vld [tilespmem:s19+$0xFFFFFFA0]  }
0x7e: {  	v7 =	vld [tilespmem:s26+$0xFFFFFFB0]  }
0x7f: {  	v9 =	vld [tilespmem:s26+$0xFFFFFFC0]  }
0x80: {  	v12 =	vld [tilespmem:s26+$0xFFFFFFD0]  }
0x81: {  	v15 =	vld [tilespmem:s26+$0xFFFFFFE0]  }
0x82: {  	v19 =	vld [tilespmem:s26+$0xFFFFFFF0];
	v5 =	vshll.u32 v3, $0xC;
	v8 =	vshll.u32 v4, $0x3  }
0x83: {  	v10 =	vshll.u32 v3, $0x7;
	v11 =	vshll.u32 v0, $0x3;
	v13 =	vshll.u32 v1, $0x3  }
0x84: {  	v14 =	vshll.u32 v7, $0xC;
	v16 =	vshll.u32 v9, $0xC;
	v20 =	vshll.u32 v6, $0x7  }
0x85: {  	v21 =	vshll.u32 v12, $0xC;
	v23 =	vshll.u32 v7, $0x7;
	v24 =	vshll.u32 v9, $0x7  }
0x86: {  	v62 =	vshll.u32 v15, $0xC;
	v12 =	vshll.u32 v12, $0x7;
	v26 =	vshll.u32 v15, $0x7  }
0x87: {  	v15 =	vshll.u32 v19, $0xC;
	v19 =	vshll.u32 v19, $0x7;
	v5 =	vand.u32 $0xFFFF8000, v5  }
0x88: {  	v2 =	vld [tilespmem:s19+$0xFFFFFFB0];
	v8 =	vand.u32 $0xFFFFFC00, v8;
	v13 =	vand.u32 $0xFFFFFC00, v13;
	v14 =	vand.u32 $0xFFFF8000, v14  }
0x89: {  	v22 =	vld [tilespmem:s26+$0xFFFFFF90];
	v16 =	vand.u32 $0xFFFF8000, v16;
	v7 =	vand.u32 $0xFFFF8000, v21;
	v21 =	vand.u32 $0xFFFF8000, v62  }
0x8a: {  	v3 =	vld [tilespmem:s19+$0xFFFFFFC0];
	v15 =	vand.u32 $0xFFFF8000, v15;
	v20 =	vand.u32 $0x380, v20;
	v63 =	vand.u32 $0x380, v23  }
0x8b: {  	v5 =	vadd.s32 v5, v8;
	v8 =	vand.u32 $0x380, v10;
	v10 =	vshll.u32 v6, $0xC  }
0x8c: {  	v5 =	vor.u32 v8, v5;
	v8 =	vand.u32 $0x7F, v4;
	v10 =	vand.u32 $0xFFFF8000, v10  }
0x8d: {  	v6 =	vld [tilespmem:s19+$0xFFFFFFF0];
	v17 =	vor.u32 v8, v5;
	v8 =	vand.u32 $0xFFFFFC00, v11;
	v11 =	vshll.u32 v2, $0x3  }
0x8e: {  	v4 =	vld [tilespmem:s19+$0xFFFFFFD0];
	v13 =	vadd.s32 v10, v13;
	v10 =	vshll.u32 v22, $0xC;
	v22 =	vshll.u32 v22, $0x7  }
0x8f: {  	v5 =	vld [tilespmem:s19+$0xFFFFFFE0];
	v11 =	vand.u32 $0xFFFFFC00, v11;
	v18 =	vshll.u32 v3, $0x3;
	v10 =	vand.u32 $0xFFFF8000, v10  }
0x90: {  	v13 =	vor.u32 v20, v13;
	v18 =	vand.u32 $0xFFFFFC00, v18;
	v28 =	vadd.s32 v14, v11  }
0x91: {  	v29 =	vadd.s32 v10, v8;
	v14 =	vand.u32 $0x380, v26;
	v11 =	vand.u32 $0x380, v19  }
0x92: {  	v27 =	vshll.u32 v6, $0x3;
	v10 =	vadd.s32 v16, v18;
	v18 =	vand.u32 $0x380, v22  }
0x93: {  	v16 =	vand.u32 $0x380, v12;
	v12 =	vor.u32 v63, v28;
	v61 =	vshll.u32 v4, $0x3  }
0x94: {  	s25 =	simm.s32 $0x2C00;
	v27 =	vand.u32 $0xFFFFFC00, v27;
	v9 =	vand.u32 $0xFFFFFC00, v61;
	v25 =	vshll.u32 v5, $0x3  }
0x95: {  	s22 =	simm.s32 $0x800;
	s23 =	simm.s32 $0x3110;
	s24 =	simm.s32 $0x1C90;
	[tilespmem:s25+$0x0] =	vst v17;
	v17 =	vor.u32 v18, v29;
	v25 =	vand.u32 $0xFFFFFC00, v25;
	v8 =	vadd.s32 v7, v9  }
0x96: {  	s28 =	simm.s32 $0x380;
	s20 =	simm.s32 $0x810;
	s26 =	simm.s32 $0x290;
	v7 =	vadd.s32 v15, v27;
	v15 =	vand.u32 $0x380, v24;
	v9 =	vadd.s32 v21, v25  }
.LBB2_4:
0x97: {  	v18 =	vld [tilespmem:s28+$0x0];
	v10 =	vor.u32 v15, v10;
	v8 =	vor.u32 v16, v8;
	v9 =	vor.u32 v14, v9;
	s19 =	sadd.s32 $0x80, s19  }
0x98: {  	s26 =	sadd.s32 $0x80, s26;
	v15 =	vand.u32 $0x7F, v0;
	v16 =	vand.u32 $0x7F, v1;
	v7 =	vor.u32 v11, v7;
	v14 =	vld [tilespmem:s19+$0x0]  }
0x99: {  	v2 =	vand.u32 $0x7F, v2;
	v3 =	vand.u32 $0x7F, v3;
	v4 =	vand.u32 $0x7F, v4;
	p1 =	slt.u32 s26, $0x790;
	v0 =	vld [tilespmem:s19+$0xFFFFFF90]  }
0x9a: {  	v5 =	vand.u32 $0x7F, v5;
	v6 =	vand.u32 $0x7F, v6;
	v15 =	vor.u32 v15, v17;
	v11 =	vld [tilespmem:s28+$0xFFFFFFA0]  }
0x9b: {  	v13 =	vor.u32 v16, v13;
	v12 =	vor.u32 v2, v12;
	v3 =	vor.u32 v3, v10;
	v1 =	vld [tilespmem:s19+$0xFFFFFFA0];
	[tilespmem:s25+$0xFFFFFF90] =	vst v15  }
0x9c: {  	v4 =	vor.u32 v4, v8;
	v5 =	vor.u32 v5, v9;
	v6 =	vor.u32 v6, v7;
	v10 =	vld [tilespmem:s28+$0xFFFFFFB0];
	[tilespmem:s25+$0xFFFFFFA0] =	vst v13  }
0x9d: {  	v7 =	vshll.u32 v18, $0xC;
	v2 =	vld [tilespmem:s19+$0xFFFFFFB0];
	v8 =	vshll.u32 v14, $0x3;
	[tilespmem:s25+$0xFFFFFFB0] =	vst v12  }
0x9e: {  	v7 =	vand.u32 $0xFFFF8000, v7;
	v12 =	vshll.u32 v18, $0x7;
	v9 =	vld [tilespmem:s28+$0xFFFFFFC0];
	v8 =	vand.u32 $0xFFFFFC00, v8;
	[tilespmem:s25+$0xFFFFFFC0] =	vst v3  }
0x9f: {  	v13 =	vshll.u32 v0, $0x3;
	v3 =	vld [tilespmem:s19+$0xFFFFFFC0];
	v7 =	vadd.s32 v7, v8;
	v8 =	vand.u32 $0x380, v12;
	[tilespmem:s25+$0xFFFFFFD0] =	vst v4  }
0xa0: {  	v12 =	vshll.u32 v11, $0xC;
	v15 =	vld [tilespmem:s28+$0xFFFFFFD0];
	v7 =	vor.u32 v8, v7;
	v8 =	vand.u32 $0x7F, v14;
	[tilespmem:s25+$0xFFFFFFE0] =	vst v5  }
0xa1: {  	v5 =	vshll.u32 v1, $0x3;
	v14 =	vshll.u32 v10, $0xC;
	v4 =	vld [tilespmem:s19+$0xFFFFFFD0];
	v7 =	vor.u32 v8, v7;
	[tilespmem:s25+$0xFFFFFFF0] =	vst v6;
	s25 =	sadd.s32 $0x80, s25  }
0xa2: {  	v12 =	vand.u32 $0xFFFF8000, v12;
	v8 =	vand.u32 $0xFFFFFC00, v13;
	v6 =	vshll.u32 v2, $0x3;
	v13 =	vld [tilespmem:s28+$0xFFFFFFE0];
	[tilespmem:s25+$0x0] =	vst v7  }
0xa3: {  	v7 =	vand.u32 $0xFFFFFC00, v5;
	v14 =	vand.u32 $0xFFFF8000, v14;
	v16 =	vshll.u32 v9, $0xC;
	v5 =	vld [tilespmem:s19+$0xFFFFFFE0]  }
0xa4: {  	v17 =	vand.u32 $0xFFFFFC00, v6;
	v16 =	vand.u32 $0xFFFF8000, v16;
	v6 =	vshll.u32 v3, $0x3;
	v18 =	vld [tilespmem:s28+$0xFFFFFFF0]  }
0xa5: {  	v11 =	vshll.u32 v11, $0x7;
	v19 =	vand.u32 $0xFFFFFC00, v6;
	v20 =	vshll.u32 v15, $0xC;
	v6 =	vld [tilespmem:s19+$0xFFFFFFF0]  }
0xa6: {  	v22 =	vshll.u32 v10, $0x7;
	v21 =	vld [tilespmem:s28+$0xFFFFFF90];
	v20 =	vand.u32 $0xFFFF8000, v20;
	v10 =	vshll.u32 v4, $0x3  }
0xa7: {  	v23 =	vshll.u32 v9, $0x7;
	v9 =	vand.u32 $0xFFFFFC00, v10;
	v10 =	vshll.u32 v13, $0xC  }
0xa8: {  	v24 =	vshll.u32 v15, $0x7;
	v15 =	vand.u32 $0xFFFF8000, v10;
	v10 =	vshll.u32 v5, $0x3  }
0xa9: {  	v13 =	vshll.u32 v13, $0x7;
	v25 =	vand.u32 $0xFFFFFC00, v10;
	v10 =	vshll.u32 v18, $0xC  }
0xaa: {  	v18 =	vshll.u32 v18, $0x7;
	v26 =	vand.u32 $0xFFFF8000, v10;
	v10 =	vshll.u32 v6, $0x3  }
0xab: {  	v27 =	vshll.u32 v21, $0xC;
	v21 =	vshll.u32 v21, $0x7;
	v28 =	vand.u32 $0xFFFFFC00, v10  }
0xac: {  	v12 =	vadd.s32 v12, v7;
	v10 =	vand.u32 $0xFFFF8000, v27;
	v27 =	vadd.s32 v14, v17  }
.Ltmp3:
0xad: {  	v17 =	vadd.s32 v10, v8;
	v10 =	vadd.s32 v16, v19;
	v8 =	vadd.s32 v20, v9;
	(pc) =	sbr.rel @p1 .LBB2_4-.Ltmp3, $4  }
0xae: {  	v7 =	vadd.s32 v26, v28;
	v19 =	vand.u32 $0x380, v21;
	v9 =	vadd.s32 v15, v25  }
0xaf: {  	v20 =	vand.u32 $0x380, v11;
	v21 =	vand.u32 $0x380, v22;
	v15 =	vand.u32 $0x380, v23  }
0xb0: {  	v14 =	vand.u32 $0x380, v13;
	v16 =	vand.u32 $0x380, v24;
	v11 =	vand.u32 $0x380, v18  }
0xb1: {  	s28 =	sadd.s32 $0x80, s28;
	v17 =	vor.u32 v19, v17;
	v13 =	vor.u32 v20, v12;
	v12 =	vor.u32 v21, v27  }
0xb2: {  	v0 =	vand.u32 $0x7F, v0  }
0xb3: {  	v1 =	vand.u32 $0x7F, v1;
	v0 =	vor.u32 v0, v17  }
0xb4: {  	v2 =	vand.u32 $0x7F, v2;
	v56 =	vor.u32 v1, v13;
	[tilespmem:s25+$0xFFFFFF90] =	vst v0  }
0xb5: {  	v57 =	vor.u32 v15, v10;
	v3 =	vand.u32 $0x7F, v3;
	v2 =	vor.u32 v2, v12;
	[tilespmem:s25+$0xFFFFFFA0] =	vst v56  }
0xb6: {  	v61 =	vor.u32 v11, v7;
	v62 =	vand.u32 $0x7F, v6;
	v1 =	vor.u32 v3, v57;
	[tilespmem:s25+$0xFFFFFFB0] =	vst v2  }
0xb7: {  	v58 =	vor.u32 v16, v8;
	v4 =	vand.u32 $0x7F, v4;
	v63 =	vor.u32 v62, v61;
	[tilespmem:s25+$0xFFFFFFC0] =	vst v1  }
0xb8: {  	v59 =	vor.u32 v14, v9;
	v60 =	vand.u32 $0x7F, v5;
	v0 =	vor.u32 v4, v58;
	[tilespmem:s25+$0xFFFFFFF0] =	vst v63  }
0xb9: {  	v2 =	vor.u32 v60, v59;
	[tilespmem:s25+$0xFFFFFFD0] =	vst v0  }
0xba: {  	[tilespmem:s25+$0xFFFFFFE0] =	vst v2  }
.LBB2_6:
0xbb: {  	v0 =	vld [tilespmem:s20+$0x0]  }
0xbc: {  	v1 =	vld [tilespmem:s24+$0x0];
	_ =	sdelay $0x3  }
0xbd: {  	s22 =	sadd.s32 $0x10, s22  }
0xbe: {  	p1 =	slt.u32 s22, $0x870;
	v2 =	vshll.u32 v0, $0xC;
	v3 =	vshll.u32 v1, $0x3  }
.Ltmp4:
0xbf: {  	v0 =	vshll.u32 v0, $0x7;
	v2 =	vand.u32 $0xFFFF8000, v2;
	v3 =	vand.u32 $0xFFFFFC00, v3;
	(pc) =	sbr.rel @p1 .LBB2_6-.Ltmp4, $4  }
0xc0: {  	v0 =	vand.u32 $0x380, v0;
	v2 =	vadd.s32 v2, v3  }
0xc1: {  	v1 =	vand.u32 $0x7F, v1;
	v0 =	vor.u32 v0, v2  }
0xc2: {  	v0 =	vor.u32 v1, v0  }
0xc3: {  	s24 =	sadd.s32 $0x10, s24;
	s20 =	sadd.s32 $0x10, s20;
	[tilespmem:s23+$0x0] =	vst v0;
	s23 =	sadd.s32 $0x10, s23  }
0xc4: {  	s19 =	simm.s32 $0x2B90;
	s20 =	simm.s32 $0x5490;
	s26 =	simm.s32 $0x8F0  }
0xc5: {  	[tilespmem:s20], [sflag:$0x3] =	stream.indirect.gather [hbm4b:s2+s21], $0x1, s19, s21, $0xb8;
	[tilespmem:$0x6980] =	vst v63  }
0xc6: {  	s19 =	simm.s32 $0x1D70;
	v3 =	vld [tilespmem:s26+$0x0]  }
0xc7: {  	v4 =	vld [tilespmem:s19+$0x0]  }
0xc8: {  	v0 =	vld [tilespmem:s19+$0xFFFFFF90]  }
0xc9: {  	v6 =	vld [tilespmem:s26+$0xFFFFFFA0]  }
0xca: {  	v1 =	vld [tilespmem:s19+$0xFFFFFFA0]  }
0xcb: {  	v7 =	vld [tilespmem:s26+$0xFFFFFFB0]  }
0xcc: {  	v9 =	vld [tilespmem:s26+$0xFFFFFFC0]  }
0xcd: {  	v12 =	vld [tilespmem:s26+$0xFFFFFFD0]  }
0xce: {  	v15 =	vld [tilespmem:s26+$0xFFFFFFE0]  }
0xcf: {  	v19 =	vld [tilespmem:s26+$0xFFFFFFF0];
	v5 =	vshll.u32 v3, $0xC;
	v8 =	vshll.u32 v4, $0x3  }
0xd0: {  	v10 =	vshll.u32 v3, $0x7;
	v11 =	vshll.u32 v0, $0x3;
	v13 =	vshll.u32 v1, $0x3  }
0xd1: {  	v14 =	vshll.u32 v7, $0xC;
	v16 =	vshll.u32 v9, $0xC;
	v20 =	vshll.u32 v6, $0x7  }
0xd2: {  	v21 =	vshll.u32 v12, $0xC;
	v23 =	vshll.u32 v7, $0x7;
	v24 =	vshll.u32 v9, $0x7  }
0xd3: {  	v62 =	vshll.u32 v15, $0xC;
	v12 =	vshll.u32 v12, $0x7;
	v26 =	vshll.u32 v15, $0x7  }
0xd4: {  	v15 =	vshll.u32 v19, $0xC;
	v19 =	vshll.u32 v19, $0x7;
	v5 =	vand.u32 $0xFFFF8000, v5  }
0xd5: {  	v2 =	vld [tilespmem:s19+$0xFFFFFFB0];
	v8 =	vand.u32 $0xFFFFFC00, v8;
	v13 =	vand.u32 $0xFFFFFC00, v13;
	v14 =	vand.u32 $0xFFFF8000, v14  }
0xd6: {  	v22 =	vld [tilespmem:s26+$0xFFFFFF90];
	v16 =	vand.u32 $0xFFFF8000, v16;
	v7 =	vand.u32 $0xFFFF8000, v21;
	v21 =	vand.u32 $0xFFFF8000, v62  }
0xd7: {  	v3 =	vld [tilespmem:s19+$0xFFFFFFC0];
	v15 =	vand.u32 $0xFFFF8000, v15;
	v20 =	vand.u32 $0x380, v20;
	v63 =	vand.u32 $0x380, v23  }
0xd8: {  	v5 =	vadd.s32 v5, v8;
	v8 =	vand.u32 $0x380, v10;
	v10 =	vshll.u32 v6, $0xC  }
0xd9: {  	v5 =	vor.u32 v8, v5;
	v8 =	vand.u32 $0x7F, v4;
	v10 =	vand.u32 $0xFFFF8000, v10  }
0xda: {  	v6 =	vld [tilespmem:s19+$0xFFFFFFF0];
	v17 =	vor.u32 v8, v5;
	v8 =	vand.u32 $0xFFFFFC00, v11;
	v11 =	vshll.u32 v2, $0x3  }
0xdb: {  	v4 =	vld [tilespmem:s19+$0xFFFFFFD0];
	v13 =	vadd.s32 v10, v13;
	v10 =	vshll.u32 v22, $0xC;
	v22 =	vshll.u32 v22, $0x7  }
0xdc: {  	v5 =	vld [tilespmem:s19+$0xFFFFFFE0];
	v11 =	vand.u32 $0xFFFFFC00, v11;
	v18 =	vshll.u32 v3, $0x3;
	v10 =	vand.u32 $0xFFFF8000, v10  }
0xdd: {  	v13 =	vor.u32 v20, v13;
	v18 =	vand.u32 $0xFFFFFC00, v18;
	v28 =	vadd.s32 v14, v11  }
0xde: {  	v29 =	vadd.s32 v10, v8;
	v14 =	vand.u32 $0x380, v26;
	v11 =	vand.u32 $0x380, v19  }
0xdf: {  	v27 =	vshll.u32 v6, $0x3;
	v10 =	vadd.s32 v16, v18;
	v18 =	vand.u32 $0x380, v22  }
0xe0: {  	v16 =	vand.u32 $0x380, v12;
	v12 =	vor.u32 v63, v28;
	v61 =	vshll.u32 v4, $0x3  }
0xe1: {  	s25 =	simm.s32 $0x31F0;
	v27 =	vand.u32 $0xFFFFFC00, v27;
	v9 =	vand.u32 $0xFFFFFC00, v61;
	v25 =	vshll.u32 v5, $0x3  }
0xe2: {  	s22 =	simm.s32 $0xDF0;
	s23 =	simm.s32 $0x3700;
	s24 =	simm.s32 $0x2280;
	[tilespmem:s25+$0x0] =	vst v17;
	v17 =	vor.u32 v18, v29;
	v25 =	vand.u32 $0xFFFFFC00, v25;
	v8 =	vadd.s32 v7, v9  }
0xe3: {  	s28 =	simm.s32 $0x970;
	s20 =	simm.s32 $0xE00;
	s26 =	simm.s32 $0x880;
	v7 =	vadd.s32 v15, v27;
	v15 =	vand.u32 $0x380, v24;
	v9 =	vadd.s32 v21, v25  }
.LBB2_8:
0xe4: {  	v18 =	vld [tilespmem:s28+$0x0];
	v10 =	vor.u32 v15, v10;
	v8 =	vor.u32 v16, v8;
	v9 =	vor.u32 v14, v9;
	s19 =	sadd.s32 $0x80, s19  }
0xe5: {  	s26 =	sadd.s32 $0x80, s26;
	v15 =	vand.u32 $0x7F, v0;
	v16 =	vand.u32 $0x7F, v1;
	v7 =	vor.u32 v11, v7;
	v14 =	vld [tilespmem:s19+$0x0]  }
0xe6: {  	v2 =	vand.u32 $0x7F, v2;
	v3 =	vand.u32 $0x7F, v3;
	v4 =	vand.u32 $0x7F, v4;
	p1 =	slt.u32 s26, $0xD80;
	v0 =	vld [tilespmem:s19+$0xFFFFFF90]  }
0xe7: {  	v5 =	vand.u32 $0x7F, v5;
	v6 =	vand.u32 $0x7F, v6;
	v15 =	vor.u32 v15, v17;
	v11 =	vld [tilespmem:s28+$0xFFFFFFA0]  }
0xe8: {  	v13 =	vor.u32 v16, v13;
	v12 =	vor.u32 v2, v12;
	v3 =	vor.u32 v3, v10;
	v1 =	vld [tilespmem:s19+$0xFFFFFFA0];
	[tilespmem:s25+$0xFFFFFF90] =	vst v15  }
0xe9: {  	v4 =	vor.u32 v4, v8;
	v5 =	vor.u32 v5, v9;
	v6 =	vor.u32 v6, v7;
	v10 =	vld [tilespmem:s28+$0xFFFFFFB0];
	[tilespmem:s25+$0xFFFFFFA0] =	vst v13  }
0xea: {  	v7 =	vshll.u32 v18, $0xC;
	v2 =	vld [tilespmem:s19+$0xFFFFFFB0];
	v8 =	vshll.u32 v14, $0x3;
	[tilespmem:s25+$0xFFFFFFB0] =	vst v12  }
0xeb: {  	v7 =	vand.u32 $0xFFFF8000, v7;
	v12 =	vshll.u32 v18, $0x7;
	v9 =	vld [tilespmem:s28+$0xFFFFFFC0];
	v8 =	vand.u32 $0xFFFFFC00, v8;
	[tilespmem:s25+$0xFFFFFFC0] =	vst v3  }
0xec: {  	v13 =	vshll.u32 v0, $0x3;
	v3 =	vld [tilespmem:s19+$0xFFFFFFC0];
	v7 =	vadd.s32 v7, v8;
	v8 =	vand.u32 $0x380, v12;
	[tilespmem:s25+$0xFFFFFFD0] =	vst v4  }
0xed: {  	v12 =	vshll.u32 v11, $0xC;
	v15 =	vld [tilespmem:s28+$0xFFFFFFD0];
	v7 =	vor.u32 v8, v7;
	v8 =	vand.u32 $0x7F, v14;
	[tilespmem:s25+$0xFFFFFFE0] =	vst v5  }
0xee: {  	v5 =	vshll.u32 v1, $0x3;
	v14 =	vshll.u32 v10, $0xC;
	v4 =	vld [tilespmem:s19+$0xFFFFFFD0];
	v7 =	vor.u32 v8, v7;
	[tilespmem:s25+$0xFFFFFFF0] =	vst v6;
	s25 =	sadd.s32 $0x80, s25  }
0xef: {  	v12 =	vand.u32 $0xFFFF8000, v12;
	v8 =	vand.u32 $0xFFFFFC00, v13;
	v6 =	vshll.u32 v2, $0x3;
	v13 =	vld [tilespmem:s28+$0xFFFFFFE0];
	[tilespmem:s25+$0x0] =	vst v7  }
0xf0: {  	v7 =	vand.u32 $0xFFFFFC00, v5;
	v14 =	vand.u32 $0xFFFF8000, v14;
	v16 =	vshll.u32 v9, $0xC;
	v5 =	vld [tilespmem:s19+$0xFFFFFFE0]  }
0xf1: {  	v17 =	vand.u32 $0xFFFFFC00, v6;
	v16 =	vand.u32 $0xFFFF8000, v16;
	v6 =	vshll.u32 v3, $0x3;
	v18 =	vld [tilespmem:s28+$0xFFFFFFF0]  }
0xf2: {  	v11 =	vshll.u32 v11, $0x7;
	v19 =	vand.u32 $0xFFFFFC00, v6;
	v20 =	vshll.u32 v15, $0xC;
	v6 =	vld [tilespmem:s19+$0xFFFFFFF0]  }
0xf3: {  	v22 =	vshll.u32 v10, $0x7;
	v21 =	vld [tilespmem:s28+$0xFFFFFF90];
	v20 =	vand.u32 $0xFFFF8000, v20;
	v10 =	vshll.u32 v4, $0x3  }
0xf4: {  	v23 =	vshll.u32 v9, $0x7;
	v9 =	vand.u32 $0xFFFFFC00, v10;
	v10 =	vshll.u32 v13, $0xC  }
0xf5: {  	v24 =	vshll.u32 v15, $0x7;
	v15 =	vand.u32 $0xFFFF8000, v10;
	v10 =	vshll.u32 v5, $0x3  }
0xf6: {  	v13 =	vshll.u32 v13, $0x7;
	v25 =	vand.u32 $0xFFFFFC00, v10;
	v10 =	vshll.u32 v18, $0xC  }
0xf7: {  	v18 =	vshll.u32 v18, $0x7;
	v26 =	vand.u32 $0xFFFF8000, v10;
	v10 =	vshll.u32 v6, $0x3  }
0xf8: {  	v27 =	vshll.u32 v21, $0xC;
	v21 =	vshll.u32 v21, $0x7;
	v28 =	vand.u32 $0xFFFFFC00, v10  }
0xf9: {  	v12 =	vadd.s32 v12, v7;
	v10 =	vand.u32 $0xFFFF8000, v27;
	v27 =	vadd.s32 v14, v17  }
.Ltmp5:
0xfa: {  	v17 =	vadd.s32 v10, v8;
	v10 =	vadd.s32 v16, v19;
	v8 =	vadd.s32 v20, v9;
	(pc) =	sbr.rel @p1 .LBB2_8-.Ltmp5, $4  }
0xfb: {  	v7 =	vadd.s32 v26, v28;
	v19 =	vand.u32 $0x380, v21;
	v9 =	vadd.s32 v15, v25  }
0xfc: {  	v20 =	vand.u32 $0x380, v11;
	v21 =	vand.u32 $0x380, v22;
	v15 =	vand.u32 $0x380, v23  }
0xfd: {  	v14 =	vand.u32 $0x380, v13;
	v16 =	vand.u32 $0x380, v24;
	v11 =	vand.u32 $0x380, v18  }
0xfe: {  	s28 =	sadd.s32 $0x80, s28;
	v17 =	vor.u32 v19, v17;
	v13 =	vor.u32 v20, v12;
	v12 =	vor.u32 v21, v27  }
0xff: {  	v0 =	vand.u32 $0x7F, v0  }
0x100: {  	v1 =	vand.u32 $0x7F, v1;
	v0 =	vor.u32 v0, v17  }
0x101: {  	v2 =	vand.u32 $0x7F, v2;
	v56 =	vor.u32 v1, v13;
	[tilespmem:s25+$0xFFFFFF90] =	vst v0  }
0x102: {  	v57 =	vor.u32 v15, v10;
	v3 =	vand.u32 $0x7F, v3;
	v2 =	vor.u32 v2, v12;
	[tilespmem:s25+$0xFFFFFFA0] =	vst v56  }
0x103: {  	v61 =	vor.u32 v11, v7;
	v62 =	vand.u32 $0x7F, v6;
	v1 =	vor.u32 v3, v57;
	[tilespmem:s25+$0xFFFFFFB0] =	vst v2  }
0x104: {  	v58 =	vor.u32 v16, v8;
	v4 =	vand.u32 $0x7F, v4;
	v63 =	vor.u32 v62, v61;
	[tilespmem:s25+$0xFFFFFFC0] =	vst v1  }
0x105: {  	v59 =	vor.u32 v14, v9;
	v60 =	vand.u32 $0x7F, v5;
	v0 =	vor.u32 v4, v58;
	[tilespmem:s25+$0xFFFFFFF0] =	vst v63  }
0x106: {  	v2 =	vor.u32 v60, v59;
	[tilespmem:s25+$0xFFFFFFD0] =	vst v0  }
0x107: {  	[tilespmem:s25+$0xFFFFFFE0] =	vst v2  }
.LBB2_10:
0x108: {  	v0 =	vld [tilespmem:s20+$0x0]  }
0x109: {  	v1 =	vld [tilespmem:s24+$0x0];
	_ =	sdelay $0x3  }
0x10a: {  	s22 =	sadd.s32 $0x10, s22  }
0x10b: {  	p1 =	slt.u32 s22, $0xE60;
	v2 =	vshll.u32 v0, $0xC;
	v3 =	vshll.u32 v1, $0x3  }
.Ltmp6:
0x10c: {  	v0 =	vshll.u32 v0, $0x7;
	v2 =	vand.u32 $0xFFFF8000, v2;
	v3 =	vand.u32 $0xFFFFFC00, v3;
	(pc) =	sbr.rel @p1 .LBB2_10-.Ltmp6, $4  }
0x10d: {  	v0 =	vand.u32 $0x380, v0;
	v2 =	vadd.s32 v2, v3  }
0x10e: {  	v1 =	vand.u32 $0x7F, v1;
	v0 =	vor.u32 v0, v2  }
0x10f: {  	v0 =	vor.u32 v1, v0  }
0x110: {  	s24 =	sadd.s32 $0x10, s24;
	s20 =	sadd.s32 $0x10, s20;
	[tilespmem:s23+$0x0] =	vst v0;
	s23 =	sadd.s32 $0x10, s23  }
0x111: {  	_ =	swait.ge [sflag:s18], $0x1478  }
0x112: {  	[sflag:s18] =	ssyncset.done $0x0  }
0x113: {  	s20 =	simm.s32 $0xEE0;
	[sflag:s18] =	ssyncadd.s32 $0xFFFFEB88  }
0x114: {  	s19 =	simm.s32 $0x2360;
	v3 =	vld [tilespmem:s20+$0x0]  }
0x115: {  	v4 =	vld [tilespmem:s19+$0x0]  }
0x116: {  	v0 =	vld [tilespmem:s19+$0xFFFFFF90]  }
0x117: {  	v6 =	vld [tilespmem:s20+$0xFFFFFFA0]  }
0x118: {  	v1 =	vld [tilespmem:s19+$0xFFFFFFA0]  }
0x119: {  	v7 =	vld [tilespmem:s20+$0xFFFFFFB0]  }
0x11a: {  	v9 =	vld [tilespmem:s20+$0xFFFFFFC0]  }
0x11b: {  	v12 =	vld [tilespmem:s20+$0xFFFFFFD0]  }
0x11c: {  	v15 =	vld [tilespmem:s20+$0xFFFFFFE0]  }
0x11d: {  	v19 =	vld [tilespmem:s20+$0xFFFFFFF0];
	v5 =	vshll.u32 v3, $0xC;
	v8 =	vshll.u32 v4, $0x3  }
0x11e: {  	v10 =	vshll.u32 v3, $0x7;
	v11 =	vshll.u32 v0, $0x3;
	v13 =	vshll.u32 v1, $0x3  }
0x11f: {  	v14 =	vshll.u32 v7, $0xC;
	v17 =	vshll.u32 v9, $0xC;
	v20 =	vshll.u32 v6, $0x7  }
0x120: {  	v21 =	vshll.u32 v12, $0xC;
	v23 =	vshll.u32 v7, $0x7;
	v24 =	vshll.u32 v9, $0x7  }
0x121: {  	v62 =	vshll.u32 v15, $0xC;
	v12 =	vshll.u32 v12, $0x7;
	v26 =	vshll.u32 v15, $0x7  }
0x122: {  	v15 =	vshll.u32 v19, $0xC;
	v19 =	vshll.u32 v19, $0x7;
	v5 =	vand.u32 $0xFFFF8000, v5  }
0x123: {  	v2 =	vld [tilespmem:s19+$0xFFFFFFB0];
	v8 =	vand.u32 $0xFFFFFC00, v8;
	v13 =	vand.u32 $0xFFFFFC00, v13;
	v14 =	vand.u32 $0xFFFF8000, v14  }
0x124: {  	v22 =	vld [tilespmem:s20+$0xFFFFFF90];
	v17 =	vand.u32 $0xFFFF8000, v17;
	v7 =	vand.u32 $0xFFFF8000, v21;
	v21 =	vand.u32 $0xFFFF8000, v62  }
0x125: {  	v3 =	vld [tilespmem:s19+$0xFFFFFFC0];
	v15 =	vand.u32 $0xFFFF8000, v15;
	v20 =	vand.u32 $0x380, v20;
	v63 =	vand.u32 $0x380, v23  }
0x126: {  	v5 =	vadd.s32 v5, v8;
	v8 =	vand.u32 $0x380, v10;
	v10 =	vshll.u32 v6, $0xC  }
0x127: {  	v5 =	vor.u32 v8, v5;
	v8 =	vand.u32 $0x7F, v4;
	v10 =	vand.u32 $0xFFFF8000, v10  }
0x128: {  	v6 =	vld [tilespmem:s19+$0xFFFFFFF0];
	v16 =	vor.u32 v8, v5;
	v8 =	vand.u32 $0xFFFFFC00, v11;
	v11 =	vshll.u32 v2, $0x3  }
0x129: {  	v4 =	vld [tilespmem:s19+$0xFFFFFFD0];
	v13 =	vadd.s32 v10, v13;
	v10 =	vshll.u32 v22, $0xC;
	v22 =	vshll.u32 v22, $0x7  }
0x12a: {  	v5 =	vld [tilespmem:s19+$0xFFFFFFE0];
	v11 =	vand.u32 $0xFFFFFC00, v11;
	v18 =	vshll.u32 v3, $0x3;
	v10 =	vand.u32 $0xFFFF8000, v10  }
0x12b: {  	v13 =	vor.u32 v20, v13;
	v18 =	vand.u32 $0xFFFFFC00, v18;
	v28 =	vadd.s32 v14, v11  }
0x12c: {  	v29 =	vadd.s32 v10, v8;
	v14 =	vand.u32 $0x380, v26;
	v11 =	vand.u32 $0x380, v19  }
0x12d: {  	v27 =	vshll.u32 v6, $0x3;
	v10 =	vadd.s32 v17, v18;
	v18 =	vand.u32 $0x380, v22  }
0x12e: {  	s20 =	simm.s32 $0x37E0;
	v17 =	vand.u32 $0x380, v24;
	v61 =	vshll.u32 v4, $0x3;
	v27 =	vand.u32 $0xFFFFFC00, v27  }
0x12f: {  	[tilespmem:s20+$0x0] =	vst v16;
	v16 =	vor.u32 v18, v29;
	v9 =	vand.u32 $0xFFFFFC00, v61;
	v25 =	vshll.u32 v5, $0x3  }
0x130: {  	v25 =	vand.u32 $0xFFFFFC00, v25;
	v8 =	vadd.s32 v7, v9;
	v7 =	vadd.s32 v15, v27  }
0x131: {  	s22 =	simm.s32 $0xE70;
	s23 =	simm.s32 $0xF60;
	v15 =	vand.u32 $0x380, v12;
	v12 =	vor.u32 v63, v28;
	v9 =	vadd.s32 v21, v25  }
.LBB2_12:
0x132: {  	v18 =	vld [tilespmem:s23+$0x0];
	v10 =	vor.u32 v17, v10;
	v8 =	vor.u32 v15, v8;
	v9 =	vor.u32 v14, v9;
	s19 =	sadd.s32 $0x80, s19  }
0x133: {  	s22 =	sadd.s32 $0x80, s22;
	v15 =	vand.u32 $0x7F, v0;
	v17 =	vand.u32 $0x7F, v1;
	v7 =	vor.u32 v11, v7;
	v14 =	vld [tilespmem:s19+$0x0]  }
0x134: {  	v2 =	vand.u32 $0x7F, v2;
	v3 =	vand.u32 $0x7F, v3;
	v4 =	vand.u32 $0x7F, v4;
	p1 =	slt.u32 s22, $0x13F0;
	v0 =	vld [tilespmem:s19+$0xFFFFFF90]  }
0x135: {  	v5 =	vand.u32 $0x7F, v5;
	v6 =	vand.u32 $0x7F, v6;
	v15 =	vor.u32 v15, v16;
	v11 =	vld [tilespmem:s23+$0xFFFFFFA0]  }
0x136: {  	v13 =	vor.u32 v17, v13;
	v12 =	vor.u32 v2, v12;
	v3 =	vor.u32 v3, v10;
	v1 =	vld [tilespmem:s19+$0xFFFFFFA0];
	[tilespmem:s20+$0xFFFFFF90] =	vst v15  }
0x137: {  	v4 =	vor.u32 v4, v8;
	v5 =	vor.u32 v5, v9;
	v6 =	vor.u32 v6, v7;
	v10 =	vld [tilespmem:s23+$0xFFFFFFB0];
	[tilespmem:s20+$0xFFFFFFA0] =	vst v13  }
0x138: {  	v7 =	vshll.u32 v18, $0xC;
	v2 =	vld [tilespmem:s19+$0xFFFFFFB0];
	v8 =	vshll.u32 v14, $0x3;
	[tilespmem:s20+$0xFFFFFFB0] =	vst v12  }
0x139: {  	v7 =	vand.u32 $0xFFFF8000, v7;
	v12 =	vshll.u32 v18, $0x7;
	v9 =	vld [tilespmem:s23+$0xFFFFFFC0];
	v8 =	vand.u32 $0xFFFFFC00, v8;
	[tilespmem:s20+$0xFFFFFFC0] =	vst v3  }
0x13a: {  	v13 =	vshll.u32 v0, $0x3;
	v3 =	vld [tilespmem:s19+$0xFFFFFFC0];
	v7 =	vadd.s32 v7, v8;
	v8 =	vand.u32 $0x380, v12;
	[tilespmem:s20+$0xFFFFFFD0] =	vst v4  }
0x13b: {  	v12 =	vshll.u32 v11, $0xC;
	v15 =	vld [tilespmem:s23+$0xFFFFFFD0];
	v7 =	vor.u32 v8, v7;
	v8 =	vand.u32 $0x7F, v14;
	[tilespmem:s20+$0xFFFFFFE0] =	vst v5  }
0x13c: {  	v5 =	vshll.u32 v1, $0x3;
	v14 =	vshll.u32 v10, $0xC;
	v4 =	vld [tilespmem:s19+$0xFFFFFFD0];
	v7 =	vor.u32 v8, v7;
	[tilespmem:s20+$0xFFFFFFF0] =	vst v6;
	s20 =	sadd.s32 $0x80, s20  }
0x13d: {  	v12 =	vand.u32 $0xFFFF8000, v12;
	v8 =	vand.u32 $0xFFFFFC00, v13;
	v6 =	vshll.u32 v2, $0x3;
	v13 =	vld [tilespmem:s23+$0xFFFFFFE0];
	[tilespmem:s20+$0x0] =	vst v7  }
0x13e: {  	v7 =	vand.u32 $0xFFFFFC00, v5;
	v14 =	vand.u32 $0xFFFF8000, v14;
	v16 =	vshll.u32 v9, $0xC;
	v5 =	vld [tilespmem:s19+$0xFFFFFFE0]  }
0x13f: {  	v17 =	vand.u32 $0xFFFFFC00, v6;
	v16 =	vand.u32 $0xFFFF8000, v16;
	v6 =	vshll.u32 v3, $0x3;
	v18 =	vld [tilespmem:s23+$0xFFFFFFF0]  }
0x140: {  	v11 =	vshll.u32 v11, $0x7;
	v19 =	vand.u32 $0xFFFFFC00, v6;
	v20 =	vshll.u32 v15, $0xC;
	v6 =	vld [tilespmem:s19+$0xFFFFFFF0]  }
0x141: {  	v22 =	vshll.u32 v10, $0x7;
	v21 =	vld [tilespmem:s23+$0xFFFFFF90];
	v20 =	vand.u32 $0xFFFF8000, v20;
	v10 =	vshll.u32 v4, $0x3  }
0x142: {  	v23 =	vshll.u32 v9, $0x7;
	v9 =	vand.u32 $0xFFFFFC00, v10;
	v10 =	vshll.u32 v13, $0xC  }
0x143: {  	v15 =	vshll.u32 v15, $0x7;
	v24 =	vand.u32 $0xFFFF8000, v10;
	v10 =	vshll.u32 v5, $0x3  }
0x144: {  	v13 =	vshll.u32 v13, $0x7;
	v25 =	vand.u32 $0xFFFFFC00, v10;
	v10 =	vshll.u32 v18, $0xC  }
0x145: {  	v18 =	vshll.u32 v18, $0x7;
	v26 =	vand.u32 $0xFFFF8000, v10;
	v10 =	vshll.u32 v6, $0x3  }
0x146: {  	v27 =	vshll.u32 v21, $0xC;
	v21 =	vshll.u32 v21, $0x7;
	v28 =	vand.u32 $0xFFFFFC00, v10  }
0x147: {  	v12 =	vadd.s32 v12, v7;
	v10 =	vand.u32 $0xFFFF8000, v27;
	v27 =	vadd.s32 v14, v17  }
.Ltmp7:
0x148: {  	v29 =	vadd.s32 v10, v8;
	v10 =	vadd.s32 v16, v19;
	v8 =	vadd.s32 v20, v9;
	(pc) =	sbr.rel @p1 .LBB2_12-.Ltmp7, $4  }
0x149: {  	v7 =	vadd.s32 v26, v28;
	v16 =	vand.u32 $0x380, v21;
	v9 =	vadd.s32 v24, v25  }
0x14a: {  	v17 =	vand.u32 $0x380, v23;
	v19 =	vand.u32 $0x380, v11;
	v20 =	vand.u32 $0x380, v22  }
0x14b: {  	v15 =	vand.u32 $0x380, v15;
	v14 =	vand.u32 $0x380, v13;
	v11 =	vand.u32 $0x380, v18  }
0x14c: {  	s23 =	sadd.s32 $0x80, s23;
	v16 =	vor.u32 v16, v29;
	v13 =	vor.u32 v19, v12;
	v12 =	vor.u32 v20, v27  }
0x14d: {  	v0 =	vand.u32 $0x7F, v0  }
0x14e: {  	v2 =	vand.u32 $0x7F, v2;
	v0 =	vor.u32 v0, v16  }
0x14f: {  	v1 =	vand.u32 $0x7F, v1;
	v2 =	vor.u32 v2, v12;
	[tilespmem:s20+$0xFFFFFF90] =	vst v0  }
0x150: {  	v3 =	vand.u32 $0x7F, v3;
	v0 =	vor.u32 v1, v13;
	v1 =	vor.u32 v17, v10;
	[tilespmem:s20+$0xFFFFFFB0] =	vst v2  }
0x151: {  	v4 =	vand.u32 $0x7F, v4;
	[tilespmem:s20+$0xFFFFFFA0] =	vst v0;
	v0 =	vor.u32 v15, v8;
	v1 =	vor.u32 v3, v1  }
0x152: {  	v2 =	vor.u32 v14, v9;
	v3 =	vand.u32 $0x7F, v5;
	v0 =	vor.u32 v4, v0;
	[tilespmem:s20+$0xFFFFFFC0] =	vst v1  }
0x153: {  	v1 =	vor.u32 v11, v7;
	v4 =	vand.u32 $0x7F, v6;
	v2 =	vor.u32 v3, v2;
	[tilespmem:s20+$0xFFFFFFD0] =	vst v0  }
0x154: {  	v0 =	vor.u32 v4, v1;
	[tilespmem:s20+$0xFFFFFFE0] =	vst v2  }
0x155: {  	[tilespmem:s20+$0xFFFFFFF0] =	vst v0  }
0x156: {  	v0 =	vld [tilespmem:$0x1470]  }
0x157: {  	v1 =	vld [tilespmem:$0x28F0];
	_ =	sdelay $0x4  }
0x158: {  	v2 =	vshll.u32 v0, $0xC;
	v3 =	vshll.u32 v1, $0x3  }
0x159: {  	v4 =	vld [tilespmem:$0x51F0];
	v0 =	vshll.u32 v0, $0x7;
	v2 =	vand.u32 $0xFFFF8000, v2;
	v3 =	vand.u32 $0xFFFFFC00, v3  }
0x15a: {  	v0 =	vand.u32 $0x380, v0;
	v2 =	vadd.s32 v2, v3  }
0x15b: {  	v1 =	vand.u32 $0x7F, v1;
	v0 =	vor.u32 v0, v2  }
0x15c: {  	v0 =	vor.u32 v1, v0  }
0x15d: {  	v0 =	vnsel vm0, $0x0, v0  }
0x15e: {  	[tilespmem:$0x3D70] =	vst v0;
	v0 =	vnsel vm0, $0x0, v4  }
0x15f: {  	s19 =	simm.s32 $0x3180;
	s23 =	simm.s32 $0x5A80;
	[tilespmem:$0x51F0] =	vst v0  }
0x160: {  	[tilespmem:s23], [sflag:$0x4] =	stream.indirect.gather [hbm4b:s2+s21], $0x1, s19, s21, $0xb8;
	[tilespmem:$0x6980] =	vst v63  }
0x161: {  	s24 =	simm.s32 $0x610;
	s25 =	simm.s32 $0x3770  }
0x162: {  	[tilespmem:s29], [sflag:$0x5] =	stream.indirect.gather [hbm4b:s2+s24], $0x1, s25, s24, $0xb8;
	[tilespmem:$0x6980] =	vst v63  }
0x163: {  	_ =	swait.ge [sflag:s30], $0x290  }
0x164: {  	[sflag:s30] =	ssyncset.done $0x0  }
0x165: {  	s26 =	simm.s32 $0x5200;
	[sflag:s30] =	ssyncadd.s32 $0xFFFFFD70  }
0x166: {  	s28 =	simm.s32 $0x3D80;
	v2 =	vld [tilespmem:s26+$0x0]  }
0x167: {  	v3 =	vld [tilespmem:s28+$0x0];
	_ =	sdelay $0x2  }
0x168: {  	s19 =	simm.s32 $0x5210  }
0x169: {  	s20 =	simm.s32 $0x3D90;
	v0 =	vld [tilespmem:s19+$0x0]  }
0x16a: {  	s22 =	simm.s32 $0x10;
	v1 =	vimm.f32 $0.0e+00;
	v3 =	vmul.f32 v3, v2;
	v2 =	vld [tilespmem:s20+$0x0]  }
.LBB2_14:
0x16b: {  	s22 =	sadd.s32 $0x10, s22  }
0x16c: {  	v1 =	vadd.f32 v3, v1;
	p1 =	slt.u32 s22, $0x280  }
.Ltmp8:
0x16d: {  	(pc) =	sbr.rel @p1 .LBB2_14-.Ltmp8, $4  }
0x16e: {  	_ = 	snop  }
0x16f: {  	s19 =	sadd.s32 $0x10, s19  }
0x170: {  	s20 =	sadd.s32 $0x10, s20;
	v3 =	vmul.f32 v2, v0;
	v0 =	vld [tilespmem:s19+$0x0]  }
0x171: {  	v2 =	vld [tilespmem:s20+$0x0]  }
0x172: {  	_ =	swait.ge [sflag:s31], $0x5F0  }
0x173: {  	[sflag:s31] =	ssyncset.done $0x0  }
0x174: {  	s19 =	simm.s32 $0x5490;
	[sflag:s31] =	ssyncadd.s32 $0xFFFFFA10  }
0x175: {  	s20 =	simm.s32 $0x4010;
	v4 =	vld [tilespmem:s19+$0x0]  }
0x176: {  	v5 =	vld [tilespmem:s20+$0x0];
	_ =	sdelay $0x2  }
0x177: {  	v1 =	vadd.f32 v3, v1;
	s19 =	simm.s32 $0x54A0;
	v2 =	vmul.f32 v2, v0  }
0x178: {  	s20 =	simm.s32 $0x4020;
	v0 =	vld [tilespmem:s19+$0x0]  }
0x179: {  	s22 =	simm.s32 $0x2A0;
	v1 =	vadd.f32 v2, v1;
	v2 =	vld [tilespmem:s20+$0x0];
	v3 =	vmul.f32 v5, v4  }
.LBB2_16:
0x17a: {  	s22 =	sadd.s32 $0x10, s22  }
0x17b: {  	v1 =	vadd.f32 v3, v1;
	p1 =	slt.u32 s22, $0x870  }
.Ltmp9:
0x17c: {  	(pc) =	sbr.rel @p1 .LBB2_16-.Ltmp9, $4  }
0x17d: {  	_ = 	snop  }
0x17e: {  	s19 =	sadd.s32 $0x10, s19  }
0x17f: {  	s20 =	sadd.s32 $0x10, s20;
	v3 =	vmul.f32 v2, v0;
	v0 =	vld [tilespmem:s19+$0x0]  }
0x180: {  	v2 =	vld [tilespmem:s20+$0x0]  }
0x181: {  	_ =	swait.ge [sflag:s1], $0x5F0  }
0x182: {  	[sflag:s1] =	ssyncset.done $0x0  }
0x183: {  	s19 =	simm.s32 $0x5A80;
	[sflag:s1] =	ssyncadd.s32 $0xFFFFFA10  }
0x184: {  	s20 =	simm.s32 $0x4600;
	v4 =	vld [tilespmem:s19+$0x0]  }
0x185: {  	v5 =	vld [tilespmem:s20+$0x0];
	_ =	sdelay $0x2  }
0x186: {  	v1 =	vadd.f32 v3, v1;
	s19 =	simm.s32 $0x5A90;
	v2 =	vmul.f32 v2, v0  }
0x187: {  	s20 =	simm.s32 $0x4610;
	v0 =	vld [tilespmem:s19+$0x0]  }
0x188: {  	s22 =	simm.s32 $0x890;
	v1 =	vadd.f32 v2, v1;
	v2 =	vld [tilespmem:s20+$0x0];
	v3 =	vmul.f32 v5, v4  }
.LBB2_18:
0x189: {  	s22 =	sadd.s32 $0x10, s22  }
0x18a: {  	v1 =	vadd.f32 v3, v1;
	p1 =	slt.u32 s22, $0xE60  }
.Ltmp10:
0x18b: {  	(pc) =	sbr.rel @p1 .LBB2_18-.Ltmp10, $4  }
0x18c: {  	_ = 	snop  }
0x18d: {  	s19 =	sadd.s32 $0x10, s19  }
0x18e: {  	s20 =	sadd.s32 $0x10, s20;
	v3 =	vmul.f32 v2, v0;
	v0 =	vld [tilespmem:s19+$0x0]  }
0x18f: {  	v2 =	vld [tilespmem:s20+$0x0]  }
0x190: {  	_ =	swait.ge [sflag:s0], $0x610  }
0x191: {  	[sflag:s0] =	ssyncset.done $0x0  }
0x192: {  	s19 =	simm.s32 $0x6070;
	[sflag:s0] =	ssyncadd.s32 $0xFFFFF9F0  }
0x193: {  	s20 =	simm.s32 $0x4BF0;
	v4 =	vld [tilespmem:s19+$0x0]  }
0x194: {  	v5 =	vld [tilespmem:s20+$0x0];
	_ =	sdelay $0x2  }
0x195: {  	v1 =	vadd.f32 v3, v1;
	s19 =	simm.s32 $0x6080;
	v2 =	vmul.f32 v2, v0  }
0x196: {  	s20 =	simm.s32 $0x4C00;
	v0 =	vld [tilespmem:s19+$0x0]  }
0x197: {  	s22 =	simm.s32 $0xE80;
	v1 =	vadd.f32 v2, v1;
	v2 =	vld [tilespmem:s20+$0x0];
	v3 =	vmul.f32 v5, v4  }
.LBB2_20:
0x198: {  	s22 =	sadd.s32 $0x10, s22  }
0x199: {  	v1 =	vadd.f32 v3, v1;
	p1 =	slt.u32 s22, $0x1470  }
.Ltmp11:
0x19a: {  	(pc) =	sbr.rel @p1 .LBB2_20-.Ltmp11, $4  }
0x19b: {  	_ = 	snop  }
0x19c: {  	s19 =	sadd.s32 $0x10, s19  }
0x19d: {  	s20 =	sadd.s32 $0x10, s20;
	v3 =	vmul.f32 v2, v0;
	v0 =	vld [tilespmem:s19+$0x0]  }
0x19e: {  	v2 =	vld [tilespmem:s20+$0x0]  }
0x19f: {  	_ =	sdelay $0x3  }
.Ltmp12:
0x1a0: {  	v1 =	vadd.f32 v3, v1;
	v0 =	vmul.f32 v2, v0;
	(pc) =	sbr.rel @p0 .LBB2_23-.Ltmp12, $3  }
0x1a1: {  	_ = 	snop  }
0x1a2: {  	v0 =	vadd.f32 v0, v1;
	_ =	sdelay $0x1  }
0x1a3: {  	[tilespmem:$0x6900] =	vst v0  }
0x1a4: {  	s19 =	simm.s32 $0x6680  }
0x1a5: {  	[tilespmem:s19], [sflag:$0x1] =	stream.linear.gather [hbm4b:s9+s3], $0x5C, $0x38;
	[tilespmem:$0x6980] =	vst v63  }
0x1a6: {  	s25 =	simm.s32 $0x6700  }
0x1a7: {  	[tilespmem:s25], [sflag:$0x1] =	stream.linear.gather [hbm4b:s10+s3], $0x5C, $0x38;
	[tilespmem:$0x6980] =	vst v63  }
0x1a8: {  	s26 =	simm.s32 $0x6800  }
0x1a9: {  	[tilespmem:s26], [sflag:$0x1] =	stream.linear.gather [hbm4b:s11+s3], $0x5C, $0x38;
	[tilespmem:$0x6980] =	vst v63  }
0x1aa: {  	_ =	swait.ge [sflag:s18], $0x5C  }
0x1ab: {  	[sflag:s18] =	ssyncset.done $0x0  }
0x1ac: {  	[sflag:s18] =	ssyncadd.s32 $0xFFFFFFA4  }
0x1ad: {  	_ =	swait.ge [sflag:s18], $0x5C  }
0x1ae: {  	[sflag:s18] =	ssyncset.done $0x0  }
0x1af: {  	[sflag:s18] =	ssyncadd.s32 $0xFFFFFFA4  }
0x1b0: {  	_ =	swait.ge [sflag:s18], $0x5C  }
0x1b1: {  	[sflag:s18] =	ssyncset.done $0x0  }
0x1b2: {  	[sflag:s18] =	ssyncadd.s32 $0xFFFFFFA4  }
0x1b3: {  	v0 =	vld [tilespmem:$0x6680]  }
0x1b4: {  	v1 =	vld [tilespmem:$0x6700]  }
0x1b5: {  	v2 =	vld [tilespmem:$0x6690]  }
0x1b6: {  	v3 =	vld [tilespmem:$0x6710]  }
0x1b7: {  	v6 =	vld [tilespmem:$0x66A0]  }
0x1b8: {  	v7 =	vld [tilespmem:$0x6720]  }
0x1b9: {  	v8 =	vld [tilespmem:$0x66B0]  }
0x1ba: {  	v24 =	vld [tilespmem:$0x6730]  }
0x1bb: {  	v10 =	vld [tilespmem:$0x66C0]  }
0x1bc: {  	v26 =	vld [tilespmem:$0x6740]  }
0x1bd: {  	v32 =	vld [tilespmem:$0x66D0];
	v4 =	vshll.u32 v0, $0xC;
	v5 =	vshll.u32 v1, $0x3  }
0x1be: {  	v11 =	vld [tilespmem:$0x6750];
	v0 =	vshll.u32 v0, $0x7;
	v22 =	vshll.u32 v2, $0xC;
	v23 =	vshll.u32 v3, $0x3  }
0x1bf: {  	v42 =	vld [tilespmem:$0x6850];
	v2 =	vshll.u32 v2, $0x7;
	v1 =	vand.u32 $0x7F, v1;
	v25 =	vshll.u32 v6, $0xC  }
0x1c0: {  	v9 =	vshll.u32 v7, $0x3;
	v6 =	vshll.u32 v6, $0x7;
	v3 =	vand.u32 $0x7F, v3  }
0x1c1: {  	v29 =	vand.u32 $0x7F, v7;
	v30 =	vshll.u32 v8, $0xC;
	v31 =	vshll.u32 v24, $0x3  }
0x1c2: {  	v8 =	vshll.u32 v8, $0x7;
	v35 =	vshll.u32 v10, $0xC;
	v36 =	vshll.u32 v26, $0x3  }
0x1c3: {  	v37 =	vshll.u32 v10, $0x7;
	v38 =	vshll.u32 v32, $0xC;
	v39 =	vshll.u32 v11, $0x3  }
0x1c4: {  	v7 =	vshll.u32 v32, $0x7;
	v46 =	vand.u32 $0x7F, v11;
	v47 =	vnsel vm1, $0x0, v42  }
0x1c5: {  	v4 =	vand.u32 $0xFFFF8000, v4;
	v5 =	vand.u32 $0xFFFFFC00, v5;
	v0 =	vand.u32 $0x380, v0  }
0x1c6: {  	v2 =	vand.u32 $0x380, v2;
	v9 =	vand.u32 $0xFFFFFC00, v9;
	v6 =	vand.u32 $0x380, v6  }
0x1c7: {  	v34 =	vand.u32 $0x380, v8;
	v40 =	vand.u32 $0xFFFF8000, v38;
	v4 =	vadd.s32 v4, v5  }
0x1c8: {  	v5 =	vand.u32 $0xFFFFFC00, v23;
	v0 =	vor.u32 v0, v4;
	v4 =	vand.u32 $0xFFFF8000, v22  }
0x1c9: {  	v41 =	vand.u32 $0xFFFFFC00, v39;
	v44 =	vand.u32 $0x380, v7;
	v4 =	vadd.s32 v4, v5  }
0x1ca: {  	v0 =	vor.u32 v1, v0;
	v2 =	vor.u32 v2, v4;
	v4 =	vand.u32 $0xFFFF8000, v25  }
0x1cb: {  	v5 =	vand.u32 $0x7F, v24;
	[tilespmem:$0x6780] =	vst v0;
	v0 =	vadd.s32 v40, v41;
	v4 =	vadd.s32 v4, v9  }
0x1cc: {  	v27 =	vor.u32 v3, v2;
	v0 =	vor.u32 v44, v0;
	v28 =	vor.u32 v6, v4  }
0x1cd: {  	v4 =	vand.u32 $0xFFFF8000, v30;
	v6 =	vand.u32 $0xFFFFFC00, v31;
	v0 =	vor.u32 v46, v0  }
0x1ce: {  	[tilespmem:$0x6850] =	vst v47;
	v2 =	vor.u32 v29, v28;
	v33 =	vadd.s32 v4, v6;
	v4 =	vand.u32 $0xFFFF8000, v35  }
0x1cf: {  	[tilespmem:$0x6790] =	vst v27;
	v6 =	vand.u32 $0xFFFFFC00, v36;
	v0 =	vnsel vm1, $0x0, v0;
	v3 =	vor.u32 v34, v33  }
0x1d0: {  	v4 =	vadd.s32 v4, v6;
	[tilespmem:$0x67A0] =	vst v2;
	v3 =	vor.u32 v5, v3;
	v5 =	vand.u32 $0x380, v37  }
0x1d1: {  	v45 =	vand.u32 $0x7F, v26;
	[tilespmem:$0x67D0] =	vst v0;
	v43 =	vor.u32 v5, v4  }
0x1d2: {  	[tilespmem:$0x67B0] =	vst v3;
	v1 =	vor.u32 v45, v43  }
0x1d3: {  	s28 =	simm.s32 $0x60;
	s20 =	simm.s32 $0x6780;
	s22 =	simm.s32 $0x6880;
	[tilespmem:$0x67C0] =	vst v1  }
0x1d4: {  	[tilespmem:s22], [sflag:$0x1] =	stream.indirect.gather [hbm4b:s2+s28], $0x1, s20, s28, $0xb8;
	[tilespmem:$0x6980] =	vst v63  }
0x1d5: {  	_ =	swait.ge [sflag:s18], $0x60  }
0x1d6: {  	[sflag:s18] =	ssyncset.done $0x0  }
0x1d7: {  	[sflag:s18] =	ssyncadd.s32 $0xFFFFFFA0  }
0x1d8: {  	v48 =	vld [tilespmem:$0x6880]  }
0x1d9: {  	v49 =	vld [tilespmem:$0x6800]  }
0x1da: {  	v50 =	vld [tilespmem:$0x6890]  }
0x1db: {  	v51 =	vld [tilespmem:$0x6810]  }
0x1dc: {  	v52 =	vld [tilespmem:$0x68A0]  }
0x1dd: {  	v53 =	vld [tilespmem:$0x6820]  }
0x1de: {  	v54 =	vld [tilespmem:$0x68B0];
	v0 =	vmul.f32 v49, v48  }
0x1df: {  	v55 =	vld [tilespmem:$0x6830]  }
0x1e0: {  	v56 =	vld [tilespmem:$0x68C0];
	v2 =	vmul.f32 v51, v50;
	v0 =	vadd.f32 $0.0e+00, v0  }
0x1e1: {  	v57 =	vld [tilespmem:$0x6840]  }
0x1e2: {  	v59 =	vld [tilespmem:$0x68D0];
	v58 =	vmul.f32 v53, v52;
	v0 =	vadd.f32 v2, v0  }
0x1e3: {  	v60 =	vld [tilespmem:$0x6850]  }
0x1e4: {  	v1 =	vmul.f32 v55, v54;
	v0 =	vadd.f32 v58, v0;
	_ =	sdelay $0x1  }
0x1e5: {  	v61 =	vmul.f32 v57, v56;
	v0 =	vadd.f32 v1, v0  }
0x1e6: {  	v62 =	vld [tilespmem:$0x6900]  }
0x1e7: {  	v63 =	vmul.f32 v60, v59;
	v0 =	vadd.f32 v61, v0;
	_ =	sdelay $0x1  }
.Ltmp13:
0x1e8: {  	v0 =	vadd.f32 v63, v0;
	(pc) =	sbr.rel .LBB2_23-.Ltmp13, $3  }
0x1e9: {  	_ = 	snop  }
0x1ea: {  	v0 =	vadd.f32 v62, v0;
	_ =	sdelay $0x1  }
0x1eb: {  	[tilespmem:$0x6900] =	vst v0  }
.LBB2_24:
0x1ec: {  	_ =	sfence.sel $0x180000  }
0x1ed: {  	[bflag:$0x0] =	sbarrier.arrive $0xFFFF  }
0x1ee: {  	_ =	strace $0x90000047  }
0x1ef: {  	s0 =	stileid.u32;
	[bflag:$0x2] =	sbarrier.arrive $0xFFFF  }
0x1f0: {  	p0 =	sne.s32 s0, $0x0;
	s0 =	rddreg [dreg:$0x5]  }
0x1f1: {  	s0 =	sadd.s32 @!p0 $0x100000, s0  }
0x1f2: {  	[sflag:s0] =	ssyncadd.tile.s32 @!p0 $0x1;
	_ =	shalt  }
.Lfunc_end2:
_tile_overlayer_lowered:
.L_overlay_start_2:
0x1f3: {  	(tag) =	ssettag $0x2  }
0x1f4: {  	s0 =	rddreg [dreg:$0x0];
	s2 =	stileid.u32  }
0x1f5: {  	s1 =	rddreg [dreg:$0x1];
	p0 =	sne.s32 s2, $0x0  }
0x1f6: {  	s3 =	rddreg [dreg:$0x2];
	[bflag:$0x3] =	sbarrier.arrive $0xFFFF;
	s2 =	simm.s32 @!p0 $0x1C06  }
0x1f7: {  	[timem:s3], [sflag:s2] =	dma.local @!p0 [hbm:s0], s1  }
0x1f8: {  	s0 =	simm.s32 @!p0 $0x6  }
0x1f9: {  	_ =	swait.ge @!p0 [sflag:s0], s1  }
0x1fa: {  	s1 =	ssub.s32 @!p0 $0x0, s1;
	[sflag:s0] =	ssyncset.done @!p0 $0x0  }
0x1fb: {  	[sflag:s0] =	ssyncadd.s32 @!p0 s1  }
0x1fc: {  	[bflag:$0x3] =	sbarrier.arrive $0xFFFF  }
0x1fd: {  	_ =	shalt  }

</sc_bundles>
